<compile_context>
chip_gen: v7x
topology: tpu7x:2x2x1
jax: 0.10.2.dev20260603
libtpu: 0.0.44.dev20260713+nightly
codegen_flags: <defaults>
</compile_context>

<pallas_src>
import functools
import jax
import jax.numpy as jnp
from jax import lax
from jax.experimental import pallas as pl
from jax.experimental.pallas import tpu as pltpu
from jax.experimental.pallas import tpu_sc as plsc

_N = 10000
_VIEWS = 2
_D = 64
_BSUBU = 10
_NSUB = 5
_BSUB = _BSUBU * 8
_BR = _BSUB * _NSUB


def _attn_body(*refs):
    adj_refs = refs[:_NSUB]
    hv_ref, embT_ref, embx_ref, out_ref = refs[_NSUB:]
    hv2 = hv_ref[0] * 1.4426950408889634
    vrow2 = jnp.dot(hv2, embT_ref[...], preferred_element_type=jnp.float32)
    embx = embx_ref[...]
    for k in range(_NSUB):
        adj = adj_refs[k][0].reshape(_BSUB, _N)
        e = jnp.exp2(adj * vrow2)
        e = jnp.where(adj > 0.0, e, 0.0).astype(jnp.bfloat16)
        hf = jnp.dot(e, embx, preferred_element_type=jnp.float32)
        denom = hf[:, _D:_D + 1]
        inv = jnp.where(denom > 0.0, 1.0 / denom, 0.0)
        out_ref[0, k * _BSUB:(k + 1) * _BSUB, :] = hf[:, 0:_D] * inv


def _attention(adj_data, emb, H_v):
    adj4 = adj_data.reshape(_VIEWS, _N // 8, 8, _N)
    embT = emb.T
    embx = jnp.concatenate(
        [emb, jnp.ones((_N, 1), jnp.float32)], axis=1).astype(jnp.bfloat16)
    hv3 = H_v.reshape(_VIEWS, 1, _D)
    grid = (_VIEWS, _N // _BR)
    adj_specs = [
        pl.BlockSpec((1, _BSUBU, 8, _N),
                     functools.partial(
                         lambda k, v, i: (v, i * _NSUB + k, 0, 0), k))
        for k in range(_NSUB)
    ]
    return pl.pallas_call(
        _attn_body,
        grid=grid,
        in_specs=adj_specs + [
            pl.BlockSpec((1, 1, _D), lambda v, i: (v, 0, 0)),
            pl.BlockSpec((_D, _N), lambda v, i: (0, 0)),
            pl.BlockSpec((_N, _D + 1), lambda v, i: (0, 0)),
        ],
        out_specs=pl.BlockSpec((1, _BR, _D), lambda v, i: (v, i, 0)),
        out_shape=jax.ShapeDtypeStruct((_VIEWS, _N, _D), jnp.float32),
    )(*([adj4] * _NSUB), hv3, embT, embx)


_E3 = 32
_NPAD = _N + 16


def _dense_body(h1_ref, phi_ref, w1_ref, b1_ref, w2_ref, b2_ref, w3_ref,
                b3_ref, th_ref, lab_ref, auT_ref, t1_ref, match_ref):
    h0 = h1_ref[0]
    h1v = h1_ref[1]
    p = phi_ref[...]
    pm = jnp.max(p, axis=1, keepdims=True)
    pe = jnp.exp(p - pm)
    w = pe / jnp.sum(pe, axis=1, keepdims=True)
    w0 = w[0:1, 0:1]
    w1 = w[0:1, 1:2]
    x = (jnp.dot(h0 * w0, w1_ref[0:_D, :], preferred_element_type=jnp.float32)
         + jnp.dot(h1v * w1, w1_ref[_D:2 * _D, :], preferred_element_type=jnp.float32)
         + b1_ref[...])
    x = jnp.dot(x, w2_ref[...], preferred_element_type=jnp.float32) + b2_ref[...]
    au = jnp.dot(x, w3_ref[...], preferred_element_type=jnp.float32) + b3_ref[...]
    auT_ref[...] = jnp.concatenate(
        [jnp.transpose(au), jnp.zeros((_E3, 16), jnp.float32)], axis=1)
    logits_raw = jnp.dot(au, th_ref[...], preferred_element_type=jnp.float32)
    s1 = jax.nn.softmax(logits_raw, axis=-1)
    s2 = jax.nn.softmax(s1, axis=-1)
    lab = lab_ref[...]
    t1v = jnp.sum(lab * jnp.log(s2), axis=1)
    t1_ref[...] = jnp.concatenate([t1v, jnp.zeros((16,), jnp.float32)])
    am = ((s1[:, 1:2] > s1[:, 0:1]) ==
          (lab[:, 1:2] > lab[:, 0:1])).astype(jnp.float32)[:, 0]
    match_ref[...] = jnp.concatenate([am, jnp.zeros((16,), jnp.float32)])


def _dense(h1, phi, W1, b1, W2, b2, W3, b3, theta, label):
    phi_r = phi.reshape(1, _VIEWS)
    b1r = b1.reshape(1, -1)
    b2r = b2.reshape(1, -1)
    b3r = b3.reshape(1, -1)
    full = lambda s: pl.BlockSpec(s, lambda: tuple(0 for _ in s))
    return pl.pallas_call(
        _dense_body,
        in_specs=[full((_VIEWS, _N, _D)), full((1, _VIEWS)),
                  full(W1.shape), full(b1r.shape), full(W2.shape),
                  full(b2r.shape), full(W3.shape), full(b3r.shape),
                  full(theta.shape), full(label.shape)],
        out_specs=[full((_E3, _NPAD)), full((_NPAD,)), full((_NPAD,))],
        out_shape=[jax.ShapeDtypeStruct((_E3, _NPAD), jnp.float32),
                   jax.ShapeDtypeStruct((_NPAD,), jnp.float32),
                   jax.ShapeDtypeStruct((_NPAD,), jnp.float32)],
    )(h1, phi_r, W1, b1r, W2, b2r, W3, b3r, theta, label)


_NFG = 4
_NPG = 8
_NPAIRS = 160000
_NPPAD = 163840
_PPG = _NPPAD // _NPG
_PCH = 4096
_NCH = _PPG // _PCH
_MASKPAD = 8192
_MPW = _MASKPAD // 32


def _sc_body(auT_hbm, ui_hbm, uj_hbm, idxp_hbm, t1_hbm, mt_hbm,
             ip_hbm, t1a_hbm, ma_hbm,
             part_v, ui_v, uj_v, ip_v, t1_v, mt_v, idx_v, a1_v, a2_v):
    wid = lax.axis_index("s") * 2 + lax.axis_index("c")
    fg = lax.rem(wid, _NFG)
    pg = lax.div(wid, _NFG)
    row0 = pl.multiple_of(fg * (8 * _NPAD), 8 * _NPAD)
    pltpu.sync_copy(auT_hbm.at[pl.ds(row0, 8 * _NPAD)], part_v)
    for c in range(_NCH):
        off = pl.multiple_of(pg * _PPG + c * _PCH, _PCH)
        pltpu.sync_copy(ui_hbm.at[pl.ds(off, _PCH)], ui_v)
        pltpu.sync_copy(uj_hbm.at[pl.ds(off, _PCH)], uj_v)

        def chunk_body(s, carry):
            ui16 = ui_v[pl.ds(s * 16, 16)]
            uj16 = uj_v[pl.ds(s * 16, 16)]
            acc = jnp.zeros((16,), jnp.float32)
            for f in range(8):
                fo = jnp.int32(f * _NPAD)
                gi = plsc.load_gather(part_v, [ui16 + fo])
                gj = plsc.load_gather(part_v, [uj16 + fo])
                acc = acc + gi * gj
            ip_v[pl.ds(s * 16, 16)] = acc
            return carry

        lax.fori_loop(0, _PCH // 16, chunk_body, 0)
        pltpu.sync_copy(ip_v, ip_hbm.at[fg, 0, pl.ds(off, _PCH)])
    pltpu.sync_copy(t1_hbm, t1_v)
    pltpu.sync_copy(mt_hbm, mt_v)
    moff = pl.multiple_of(wid * _MPW, _MPW)
    pltpu.sync_copy(idxp_hbm.at[pl.ds(moff, _MPW)], idx_v)
    acc1 = jnp.zeros((16,), jnp.float32)
    acc2 = jnp.zeros((16,), jnp.float32)
    for s in range(_MPW // 16):
        i16 = idx_v[pl.ds(s * 16, 16)]
        acc1 = acc1 + plsc.load_gather(t1_v, [i16])
        acc2 = acc2 + plsc.load_gather(mt_v, [i16])
    a1_v[...] = acc1
    a2_v[...] = acc2
    pltpu.sync_copy(a1_v, t1a_hbm.at[wid, 0])
    pltpu.sync_copy(a2_v, ma_hbm.at[wid, 0])


def _sc_gather(auT, uip, ujp, idxp, t1ext, mtext):
    kfn = pl.kernel(
        _sc_body,
        out_type=[jax.ShapeDtypeStruct((_NFG, 1, _NPPAD), jnp.float32),
                  jax.ShapeDtypeStruct((32, 1, 16), jnp.float32),
                  jax.ShapeDtypeStruct((32, 1, 16), jnp.float32)],
        mesh=plsc.VectorSubcoreMesh(core_axis_name="c", subcore_axis_name="s"),
        compiler_params=pltpu.CompilerParams(needs_layout_passes=False),
        scratch_types=[
            pltpu.VMEM((8 * _NPAD,), jnp.float32),
            pltpu.VMEM((_PCH,), jnp.int32),
            pltpu.VMEM((_PCH,), jnp.int32),
            pltpu.VMEM((_PCH,), jnp.float32),
            pltpu.VMEM((_NPAD,), jnp.float32),
            pltpu.VMEM((_NPAD,), jnp.float32),
            pltpu.VMEM((_MPW,), jnp.int32),
            pltpu.VMEM((16,), jnp.float32),
            pltpu.VMEM((16,), jnp.float32),
        ])
    return kfn(auT, uip, ujp, idxp, t1ext, mtext)


def _loss_body(ipp_ref, gl_ref, wm_ref, t1a_ref, ma_ref, loss_ref, acc_ref):
    ip = jnp.sum(ipp_ref[...], axis=0)
    z = gl_ref[...] * ip
    ls = jnp.minimum(z, 0.0) - jnp.log(1.0 + jnp.exp(-jnp.abs(z)))
    loss2 = -jnp.sum(ls * wm_ref[...]) / float(_NPAIRS)
    loss1 = -jnp.sum(t1a_ref[...]) / 5000.0
    accv = jnp.sum(ma_ref[...]) / 5000.0
    loss_ref[...] = (0.5 * loss1 + 0.5 * loss2).reshape(1, 1)
    acc_ref[...] = accv.reshape(1, 1)


def _losses(ipp, glp, wmask, t1a, ma):
    ipp3 = ipp.reshape(_NFG, _NPPAD // 128, 128)
    gl2 = glp.reshape(_NPPAD // 128, 128)
    wm2 = wmask.reshape(_NPPAD // 128, 128)
    t1a2 = t1a.reshape(32, 16)
    ma2 = ma.reshape(32, 16)
    full = lambda s: pl.BlockSpec(s, lambda: tuple(0 for _ in s))
    return pl.pallas_call(
        _loss_body,
        in_specs=[full(ipp3.shape), full(gl2.shape), full(wm2.shape),
                  full((32, 16)), full((32, 16))],
        out_specs=[full((1, 1)), full((1, 1))],
        out_shape=[jax.ShapeDtypeStruct((1, 1), jnp.float32),
                   jax.ShapeDtypeStruct((1, 1), jnp.float32)],
    )(ipp3, gl2, wm2, t1a2, ma2)


def kernel(adj_data, u_i, u_j, graph_label, label, idx_mask, emb, H_v, phi,
           W1, b1, W2, b2, W3, b3, theta):
    h1 = _attention(adj_data, emb, H_v)
    auT, t1ext, mtext = _dense(h1, phi, W1, b1, W2, b2, W3, b3, theta, label)
    npad = _NPPAD - _NPAIRS
    uip = jnp.concatenate([u_i.astype(jnp.int32),
                           jnp.full((npad,), _N, jnp.int32)])
    ujp = jnp.concatenate([u_j.astype(jnp.int32),
                           jnp.full((npad,), _N, jnp.int32)])
    idxp = jnp.concatenate(
        [idx_mask.astype(jnp.int32),
         jnp.full((_MASKPAD - idx_mask.shape[0],), _N, jnp.int32)])
    glp = jnp.concatenate([graph_label, jnp.zeros((npad,), jnp.float32)])
    wmask = jnp.concatenate([jnp.ones((_NPAIRS,), jnp.float32),
                             jnp.zeros((npad,), jnp.float32)])
    ipp, t1a, ma = _sc_gather(auT.reshape(-1), uip, ujp, idxp, t1ext, mtext)
    loss, acc = _losses(ipp, glp, wmask, t1a, ma)
    return loss[0, 0], acc[0, 0]

# --- scband reference (transcript-rebuilt; emitter-appended) ---
"""Pipeline reference for scband-semi-gnn-31439160607049 (READ-ONLY COPY).

The authoritative reference and input builder live on the scoring server;
editing this copy changes nothing except your own understanding.
"""

import jax, jax.numpy as jnp
import numpy as np

NODES = 10000
VIEW_NUM = 2
INIT_EMB = 64
ENC1, ENC2, ENC3 = 64, 32, 32
CLASS_SIZE = 2
ALPHA = 0.5
N_PAIRS = 160000
N_MASK = 5000


def _glorot(key, shape):
    fan_in, fan_out = shape[0], shape[-1]
    lim = float(np.sqrt(6.0 / (fan_in + fan_out)))
    return jax.random.uniform(key, shape, jnp.float32, -lim, lim)


def setup_inputs(seed: int = 0) -> dict:
    key = jax.random.key(seed)
    ks = jax.random.split(key, 17)
    adj_data = jax.random.uniform(ks[0], (VIEW_NUM, NODES, NODES), dtype=jnp.float32)
    u_i = jax.random.randint(ks[1], (N_PAIRS,), 0, NODES, dtype=jnp.int32)
    u_j = jax.random.randint(ks[2], (N_PAIRS,), 0, NODES, dtype=jnp.int32)
    graph_label = jax.random.normal(ks[3], (N_PAIRS,), dtype=jnp.float32)
    label = jax.random.uniform(ks[4], (NODES, CLASS_SIZE), dtype=jnp.float32)
    idx_mask = jax.random.randint(ks[5], (N_MASK,), 0, NODES, dtype=jnp.int32)
    emb = _glorot(ks[6], (NODES, INIT_EMB))
    H_v = _glorot(ks[7], (VIEW_NUM, INIT_EMB))
    phi = _glorot(ks[8], (VIEW_NUM, 1))
    W1 = _glorot(ks[9], (VIEW_NUM * INIT_EMB, ENC1)); b1 = jnp.zeros((ENC1,), jnp.float32)
    W2 = _glorot(ks[10], (ENC1, ENC2)); b2 = jnp.zeros((ENC2,), jnp.float32)
    W3 = _glorot(ks[11], (ENC2, ENC3)); b3 = jnp.zeros((ENC3,), jnp.float32)
    theta = _glorot(ks[12], (ENC3, CLASS_SIZE))
    return {"adj_data": adj_data, "u_i": u_i, "u_j": u_j, "graph_label": graph_label,
            "label": label, "idx_mask": idx_mask, "emb": emb, "H_v": H_v, "phi": phi,
            "W1": W1, "b1": b1, "W2": W2, "b2": b2, "W3": W3, "b3": b3, "theta": theta}


def _node_attention(x, adj, hv):
    # TF1 SemiGNN: v = adj * (x @ H_v) broadcast over columns; sparse softmax per row; spmm
    v = x @ hv  # (N,)
    mask = adj > 0
    scores = jnp.where(mask, adj * v[None, :], -1e9)
    alphas = jax.nn.softmax(scores, axis=-1)
    alphas = jnp.where(mask, alphas, 0.0)
    return alphas @ x


def reference(adj_data, u_i, u_j, graph_label, label, idx_mask, emb, H_v, phi,
              W1, b1, W2, b2, W3, b3, theta):
    h_list = [_node_attention(emb, adj_data[v], H_v[v]) for v in range(VIEW_NUM)]
    h1 = jnp.stack(h_list, axis=0)  # [V, N, d]
    view_w = jax.nn.softmax(phi, axis=0)  # [V, 1]
    hw = h1 * view_w[:, None, :]  # view-weighted embeddings
    h_cat = jnp.transpose(hw, (1, 0, 2)).reshape(NODES, VIEW_NUM * INIT_EMB)
    h2 = h_cat @ W1 + b1
    h2 = h2 @ W2 + b2
    a_u = h2 @ W3 + b3  # olp dense -> [N, ENC3]
    masked_data = jnp.take(a_u, idx_mask, axis=0)
    masked_label = jnp.take(label, idx_mask, axis=0)
    logits = jax.nn.softmax(masked_data @ theta, axis=-1)
    loss1 = -(1.0 / idx_mask.shape[0]) * jnp.sum(
        masked_label * jnp.log(jax.nn.softmax(logits, axis=-1)))
    u_i_embedding = jnp.take(a_u, u_i, axis=0)
    u_j_embedding = jnp.take(a_u, u_j, axis=0)
    inner_product = jnp.sum(u_i_embedding * u_j_embedding, axis=1)
    loss2 = -jnp.mean(jax.nn.log_sigmoid(graph_label * inner_product))
    loss = ALPHA * loss1 + (1 - ALPHA) * loss2
    acc = jnp.mean((jnp.argmax(logits, axis=1) == jnp.argmax(masked_label, axis=1)).astype(jnp.float32))
    return loss, acc

if __name__ == "__main__":
    import jax
    _d = setup_inputs()
    print(jax.jit(kernel)(*tuple(_d.values())))

</pallas_src>

<mosaic_0001>
#map = affine_map<(d0, d1) -> (0)>
#map1 = affine_map<(d0, d1) -> (0, 0, 0)>
module attributes {stable_mosaic.version = 14 : i64} {
  func.func @_sc_body(%arg0: i32, %arg1: i32, %arg2: memref<320512xf32, #tpu.memory_space<hbm>>, %arg3: memref<163840xi32, #tpu.memory_space<hbm>>, %arg4: memref<163840xi32, #tpu.memory_space<hbm>>, %arg5: memref<8192xi32, #tpu.memory_space<hbm>>, %arg6: memref<10016xf32, #tpu.memory_space<hbm>>, %arg7: memref<10016xf32, #tpu.memory_space<hbm>>, %arg8: memref<4x1x163840xf32, #tpu.memory_space<hbm>>, %arg9: memref<32x1x16xf32, #tpu.memory_space<hbm>>, %arg10: memref<32x1x16xf32, #tpu.memory_space<hbm>>, %arg11: memref<80128xf32, #tpu.memory_space<vmem>>, %arg12: memref<4096xi32, #tpu.memory_space<vmem>>, %arg13: memref<4096xi32, #tpu.memory_space<vmem>>, %arg14: memref<4096xf32, #tpu.memory_space<vmem>>, %arg15: memref<10016xf32, #tpu.memory_space<vmem>>, %arg16: memref<10016xf32, #tpu.memory_space<vmem>>, %arg17: memref<256xi32, #tpu.memory_space<vmem>>, %arg18: memref<16xf32, #tpu.memory_space<vmem>>, %arg19: memref<16xf32, #tpu.memory_space<vmem>>) attributes {dimension_semantics = [#tpu.dimension_semantics<core_parallel>, #tpu.dimension_semantics<subcore_parallel>], iteration_bounds = array<i64: 2, 16>, scalar_prefetch = 0 : i64, scratch_operands = 9 : i64, tpu.core_type = #tpu.core_type<sc_vector_subcore>, window_params = [{transform_indices = #map}, {transform_indices = #map}, {transform_indices = #map}, {transform_indices = #map}, {transform_indices = #map}, {transform_indices = #map}, {transform_indices = #map1}, {transform_indices = #map1}, {transform_indices = #map1}]} {
    %mul3A = arith.constant 2 : i32
    %mul3A_0 = arith.muli %arg1, %mul3A : i32
    %add3A = arith.addi %mul3A_0, %arg0 : i32
    %rem3A = arith.constant 4 : i32
    %rem3A_1 = arith.remsi %add3A, %rem3A : i32
    %div3A = arith.constant 4 : i32
    %div3A_2 = arith.divsi %add3A, %div3A : i32
    %mul3A_3 = arith.constant 80128 : i32
    %mul3A_4 = arith.muli %rem3A_1, %mul3A_3 : i32
    %multiple_of3A = tpu.assume_multiple %mul3A_4, 80128 : i32
    "tpu.region"() ({
      %run_scoped3A_168 = tpu.sem_alloc : memref<!tpu.dma_semaphore, #tpu.memory_space<semaphore_mem>>
      %dma_start3A = tpu.memref_slice %arg2[%multiple_of3A] : memref<320512xf32, #tpu.memory_space<hbm>> -> memref<80128xf32, #tpu.memory_space<hbm>>
      %dma_start3A_169 = tpu.memref_slice %arg2[%multiple_of3A] : memref<320512xf32, #tpu.memory_space<hbm>> -> memref<80128xf32, #tpu.memory_space<hbm>>
      tpu.enqueue_dma source(%dma_start3A_169 : memref<80128xf32, #tpu.memory_space<hbm>>) target(%arg11 : memref<80128xf32, #tpu.memory_space<vmem>>) target_semaphore(%run_scoped3A_168 : memref<!tpu.dma_semaphore, #tpu.memory_space<semaphore_mem>>)
      %dma_wait3A = tpu.memref_slice %arg2[%multiple_of3A] : memref<320512xf32, #tpu.memory_space<hbm>> -> memref<80128xf32, #tpu.memory_space<hbm>>
      %dma_wait3A_170 = tpu.memref_slice %arg2[%multiple_of3A] : memref<320512xf32, #tpu.memory_space<hbm>> -> memref<80128xf32, #tpu.memory_space<hbm>>
      tpu.wait_dma2 semaphore(%run_scoped3A_168 : memref<!tpu.dma_semaphore, #tpu.memory_space<semaphore_mem>>) src(%dma_wait3A_170 : memref<80128xf32, #tpu.memory_space<hbm>>) dst(%arg11 : memref<80128xf32, #tpu.memory_space<vmem>>)
      tpu.yield
    }) : () -> ()
    %mul3A_5 = arith.constant 20480 : i32
    %mul3A_6 = arith.muli %div3A_2, %mul3A_5 : i32
    %add3A_7 = arith.constant 0 : i32
    %add3A_8 = arith.addi %mul3A_6, %add3A_7 : i32
    %multiple_of3A_9 = tpu.assume_multiple %add3A_8, 4096 : i32
    "tpu.region"() ({
      %run_scoped3A_168 = tpu.sem_alloc : memref<!tpu.dma_semaphore, #tpu.memory_space<semaphore_mem>>
      %dma_start3A = tpu.memref_slice %arg3[%multiple_of3A_9] : memref<163840xi32, #tpu.memory_space<hbm>> -> memref<4096xi32, #tpu.memory_space<hbm>>
      %dma_start3A_169 = tpu.memref_slice %arg3[%multiple_of3A_9] : memref<163840xi32, #tpu.memory_space<hbm>> -> memref<4096xi32, #tpu.memory_space<hbm>>
      tpu.enqueue_dma source(%dma_start3A_169 : memref<4096xi32, #tpu.memory_space<hbm>>) target(%arg12 : memref<4096xi32, #tpu.memory_space<vmem>>) target_semaphore(%run_scoped3A_168 : memref<!tpu.dma_semaphore, #tpu.memory_space<semaphore_mem>>)
      %dma_wait3A = tpu.memref_slice %arg3[%multiple_of3A_9] : memref<163840xi32, #tpu.memory_space<hbm>> -> memref<4096xi32, #tpu.memory_space<hbm>>
      %dma_wait3A_170 = tpu.memref_slice %arg3[%multiple_of3A_9] : memref<163840xi32, #tpu.memory_space<hbm>> -> memref<4096xi32, #tpu.memory_space<hbm>>
      tpu.wait_dma2 semaphore(%run_scoped3A_168 : memref<!tpu.dma_semaphore, #tpu.memory_space<semaphore_mem>>) src(%dma_wait3A_170 : memref<4096xi32, #tpu.memory_space<hbm>>) dst(%arg12 : memref<4096xi32, #tpu.memory_space<vmem>>)
      tpu.yield
    }) : () -> ()
    "tpu.region"() ({
      %run_scoped3A_168 = tpu.sem_alloc : memref<!tpu.dma_semaphore, #tpu.memory_space<semaphore_mem>>
      %dma_start3A = tpu.memref_slice %arg4[%multiple_of3A_9] : memref<163840xi32, #tpu.memory_space<hbm>> -> memref<4096xi32, #tpu.memory_space<hbm>>
      %dma_start3A_169 = tpu.memref_slice %arg4[%multiple_of3A_9] : memref<163840xi32, #tpu.memory_space<hbm>> -> memref<4096xi32, #tpu.memory_space<hbm>>
      tpu.enqueue_dma source(%dma_start3A_169 : memref<4096xi32, #tpu.memory_space<hbm>>) target(%arg13 : memref<4096xi32, #tpu.memory_space<vmem>>) target_semaphore(%run_scoped3A_168 : memref<!tpu.dma_semaphore, #tpu.memory_space<semaphore_mem>>)
      %dma_wait3A = tpu.memref_slice %arg4[%multiple_of3A_9] : memref<163840xi32, #tpu.memory_space<hbm>> -> memref<4096xi32, #tpu.memory_space<hbm>>
      %dma_wait3A_170 = tpu.memref_slice %arg4[%multiple_of3A_9] : memref<163840xi32, #tpu.memory_space<hbm>> -> memref<4096xi32, #tpu.memory_space<hbm>>
      tpu.wait_dma2 semaphore(%run_scoped3A_168 : memref<!tpu.dma_semaphore, #tpu.memory_space<semaphore_mem>>) src(%dma_wait3A_170 : memref<4096xi32, #tpu.memory_space<hbm>>) dst(%arg13 : memref<4096xi32, #tpu.memory_space<vmem>>)
      tpu.yield
    }) : () -> ()
    %scan3A = arith.constant 0 : i32
    %scan3A_10 = arith.constant 0 : i32
    %scan3A_11 = arith.constant 256 : i32
    %scan3A_12 = arith.addi %scan3A_10, %scan3A_11 : i32
    %scan3A_13 = arith.constant 1 : i32
    scf.for %scan3A_168 = %scan3A_10 to %scan3A_12 step %scan3A_13  : i32 {
      %mul3A_169 = arith.constant 16 : i32
      %mul3A_170 = arith.muli %scan3A_168, %mul3A_169 : i32
      %get3A_171 = arith.index_cast %mul3A_170 : i32 to index
      %get3A_172 = tpu.vector_load %arg12[%get3A_171] {strides = array<i32>} : memref<4096xi32, #tpu.memory_space<vmem>>, vector<16xi32>,
      %mul3A_173 = arith.constant 16 : i32
      %mul3A_174 = arith.muli %scan3A_168, %mul3A_173 : i32
      %get3A_175 = arith.index_cast %mul3A_174 : i32 to index
      %get3A_176 = tpu.vector_load %arg13[%get3A_175] {strides = array<i32>} : memref<4096xi32, #tpu.memory_space<vmem>>, vector<16xi32>,
      %broadcast_in_dim3A_177 = arith.constant 0.000000e+00 : f32
      %broadcast_in_dim3A_178 = vector.broadcast %broadcast_in_dim3A_177 : f32 to vector<16xf32>
      %add3A_179 = arith.constant 0 : i32
      %add3A_180 = vector.broadcast %add3A_179 : i32 to vector<16xi32>
      %add3A_181 = arith.addi %get3A_172, %add3A_180 : vector<16xi32>
      %gather3A_182 = tpu.vector_load_idx %arg11[%add3A_181] : memref<80128xf32, #tpu.memory_space<vmem>>[vector<16xi32>], vector<16xf32>,
      %add3A_183 = arith.constant 0 : i32
      %add3A_184 = vector.broadcast %add3A_183 : i32 to vector<16xi32>
      %add3A_185 = arith.addi %get3A_176, %add3A_184 : vector<16xi32>
      %gather3A_186 = tpu.vector_load_idx %arg11[%add3A_185] : memref<80128xf32, #tpu.memory_space<vmem>>[vector<16xi32>], vector<16xf32>,
      %mul3A_187 = arith.mulf %gather3A_182, %gather3A_186 : vector<16xf32>
      %add3A_188 = arith.addf %broadcast_in_dim3A_178, %mul3A_187 : vector<16xf32>
      %add3A_189 = arith.constant 10016 : i32
      %add3A_190 = vector.broadcast %add3A_189 : i32 to vector<16xi32>
      %add3A_191 = arith.addi %get3A_172, %add3A_190 : vector<16xi32>
      %gather3A_192 = tpu.vector_load_idx %arg11[%add3A_191] : memref<80128xf32, #tpu.memory_space<vmem>>[vector<16xi32>], vector<16xf32>,
      %add3A_193 = arith.constant 10016 : i32
      %add3A_194 = vector.broadcast %add3A_193 : i32 to vector<16xi32>
      %add3A_195 = arith.addi %get3A_176, %add3A_194 : vector<16xi32>
      %gather3A_196 = tpu.vector_load_idx %arg11[%add3A_195] : memref<80128xf32, #tpu.memory_space<vmem>>[vector<16xi32>], vector<16xf32>,
      %mul3A_197 = arith.mulf %gather3A_192, %gather3A_196 : vector<16xf32>
      %add3A_198 = arith.addf %add3A_188, %mul3A_197 : vector<16xf32>
      %add3A_199 = arith.constant 20032 : i32
      %add3A_200 = vector.broadcast %add3A_199 : i32 to vector<16xi32>
      %add3A_201 = arith.addi %get3A_172, %add3A_200 : vector<16xi32>
      %gather3A_202 = tpu.vector_load_idx %arg11[%add3A_201] : memref<80128xf32, #tpu.memory_space<vmem>>[vector<16xi32>], vector<16xf32>,
      %add3A_203 = arith.constant 20032 : i32
      %add3A_204 = vector.broadcast %add3A_203 : i32 to vector<16xi32>
      %add3A_205 = arith.addi %get3A_176, %add3A_204 : vector<16xi32>
      %gather3A_206 = tpu.vector_load_idx %arg11[%add3A_205] : memref<80128xf32, #tpu.memory_space<vmem>>[vector<16xi32>], vector<16xf32>,
      %mul3A_207 = arith.mulf %gather3A_202, %gather3A_206 : vector<16xf32>
      %add3A_208 = arith.addf %add3A_198, %mul3A_207 : vector<16xf32>
      %add3A_209 = arith.constant 30048 : i32
      %add3A_210 = vector.broadcast %add3A_209 : i32 to vector<16xi32>
      %add3A_211 = arith.addi %get3A_172, %add3A_210 : vector<16xi32>
      %gather3A_212 = tpu.vector_load_idx %arg11[%add3A_211] : memref<80128xf32, #tpu.memory_space<vmem>>[vector<16xi32>], vector<16xf32>,
      %add3A_213 = arith.constant 30048 : i32
      %add3A_214 = vector.broadcast %add3A_213 : i32 to vector<16xi32>
      %add3A_215 = arith.addi %get3A_176, %add3A_214 : vector<16xi32>
      %gather3A_216 = tpu.vector_load_idx %arg11[%add3A_215] : memref<80128xf32, #tpu.memory_space<vmem>>[vector<16xi32>], vector<16xf32>,
      %mul3A_217 = arith.mulf %gather3A_212, %gather3A_216 : vector<16xf32>
      %add3A_218 = arith.addf %add3A_208, %mul3A_217 : vector<16xf32>
      %add3A_219 = arith.constant 40064 : i32
      %add3A_220 = vector.broadcast %add3A_219 : i32 to vector<16xi32>
      %add3A_221 = arith.addi %get3A_172, %add3A_220 : vector<16xi32>
      %gather3A_222 = tpu.vector_load_idx %arg11[%add3A_221] : memref<80128xf32, #tpu.memory_space<vmem>>[vector<16xi32>], vector<16xf32>,
      %add3A_223 = arith.constant 40064 : i32
      %add3A_224 = vector.broadcast %add3A_223 : i32 to vector<16xi32>
      %add3A_225 = arith.addi %get3A_176, %add3A_224 : vector<16xi32>
      %gather3A_226 = tpu.vector_load_idx %arg11[%add3A_225] : memref<80128xf32, #tpu.memory_space<vmem>>[vector<16xi32>], vector<16xf32>,
      %mul3A_227 = arith.mulf %gather3A_222, %gather3A_226 : vector<16xf32>
      %add3A_228 = arith.addf %add3A_218, %mul3A_227 : vector<16xf32>
      %add3A_229 = arith.constant 50080 : i32
      %add3A_230 = vector.broadcast %add3A_229 : i32 to vector<16xi32>
      %add3A_231 = arith.addi %get3A_172, %add3A_230 : vector<16xi32>
      %gather3A_232 = tpu.vector_load_idx %arg11[%add3A_231] : memref<80128xf32, #tpu.memory_space<vmem>>[vector<16xi32>], vector<16xf32>,
      %add3A_233 = arith.constant 50080 : i32
      %add3A_234 = vector.broadcast %add3A_233 : i32 to vector<16xi32>
      %add3A_235 = arith.addi %get3A_176, %add3A_234 : vector<16xi32>
      %gather3A_236 = tpu.vector_load_idx %arg11[%add3A_235] : memref<80128xf32, #tpu.memory_space<vmem>>[vector<16xi32>], vector<16xf32>,
      %mul3A_237 = arith.mulf %gather3A_232, %gather3A_236 : vector<16xf32>
      %add3A_238 = arith.addf %add3A_228, %mul3A_237 : vector<16xf32>
      %add3A_239 = arith.constant 60096 : i32
      %add3A_240 = vector.broadcast %add3A_239 : i32 to vector<16xi32>
      %add3A_241 = arith.addi %get3A_172, %add3A_240 : vector<16xi32>
      %gather3A_242 = tpu.vector_load_idx %arg11[%add3A_241] : memref<80128xf32, #tpu.memory_space<vmem>>[vector<16xi32>], vector<16xf32>,
      %add3A_243 = arith.constant 60096 : i32
      %add3A_244 = vector.broadcast %add3A_243 : i32 to vector<16xi32>
      %add3A_245 = arith.addi %get3A_176, %add3A_244 : vector<16xi32>
      %gather3A_246 = tpu.vector_load_idx %arg11[%add3A_245] : memref<80128xf32, #tpu.memory_space<vmem>>[vector<16xi32>], vector<16xf32>,
      %mul3A_247 = arith.mulf %gather3A_242, %gather3A_246 : vector<16xf32>
      %add3A_248 = arith.addf %add3A_238, %mul3A_247 : vector<16xf32>
      %add3A_249 = arith.constant 70112 : i32
      %add3A_250 = vector.broadcast %add3A_249 : i32 to vector<16xi32>
      %add3A_251 = arith.addi %get3A_172, %add3A_250 : vector<16xi32>
      %gather3A_252 = tpu.vector_load_idx %arg11[%add3A_251] : memref<80128xf32, #tpu.memory_space<vmem>>[vector<16xi32>], vector<16xf32>,
      %add3A_253 = arith.constant 70112 : i32
      %add3A_254 = vector.broadcast %add3A_253 : i32 to vector<16xi32>
      %add3A_255 = arith.addi %get3A_176, %add3A_254 : vector<16xi32>
      %gather3A_256 = tpu.vector_load_idx %arg11[%add3A_255] : memref<80128xf32, #tpu.memory_space<vmem>>[vector<16xi32>], vector<16xf32>,
      %mul3A_257 = arith.mulf %gather3A_252, %gather3A_256 : vector<16xf32>
      %add3A_258 = arith.addf %add3A_248, %mul3A_257 : vector<16xf32>
      %mul3A_259 = arith.constant 16 : i32
      %mul3A_260 = arith.muli %scan3A_168, %mul3A_259 : i32
      %swap3A_261 = arith.index_cast %mul3A_260 : i32 to index
      %swap3A_262 = tpu.vector_load %arg14[%swap3A_261] {strides = array<i32>} : memref<4096xf32, #tpu.memory_space<vmem>>, vector<16xf32>,
      tpu.vector_store %arg14[%swap3A_261], %add3A_258 {strides = array<i32>} : memref<4096xf32, #tpu.memory_space<vmem>>, vector<16xf32>,
    }
    %scan3A_14 = arith.constant 256 : i32
    %run_scoped3A = arith.constant 0 : i32
    "tpu.region"() ({
      %run_scoped3A_168 = tpu.sem_alloc : memref<!tpu.dma_semaphore, #tpu.memory_space<semaphore_mem>>
      %dma_start3A = tpu.memref_slice %arg8[%rem3A_1, %run_scoped3A, %multiple_of3A_9] : memref<4x1x163840xf32, #tpu.memory_space<hbm>> -> memref<1x1x4096xf32, #tpu.memory_space<hbm>>
      %dma_start3A_169 = tpu.memref_squeeze %dma_start3A : memref<1x1x4096xf32, #tpu.memory_space<hbm>> -> memref<4096xf32, #tpu.memory_space<hbm>>
      %dma_start3A_170 = tpu.memref_slice %arg8[%rem3A_1, %run_scoped3A, %multiple_of3A_9] : memref<4x1x163840xf32, #tpu.memory_space<hbm>> -> memref<1x1x4096xf32, #tpu.memory_space<hbm>>
      %dma_start3A_171 = tpu.memref_squeeze %dma_start3A_170 : memref<1x1x4096xf32, #tpu.memory_space<hbm>> -> memref<4096xf32, #tpu.memory_space<hbm>>
      tpu.enqueue_dma source(%arg14 : memref<4096xf32, #tpu.memory_space<vmem>>) target(%dma_start3A_171 : memref<4096xf32, #tpu.memory_space<hbm>>) target_semaphore(%run_scoped3A_168 : memref<!tpu.dma_semaphore, #tpu.memory_space<semaphore_mem>>)
      %dma_wait3A = tpu.memref_slice %arg8[%rem3A_1, %run_scoped3A, %multiple_of3A_9] : memref<4x1x163840xf32, #tpu.memory_space<hbm>> -> memref<1x1x4096xf32, #tpu.memory_space<hbm>>
      %dma_wait3A_172 = tpu.memref_squeeze %dma_wait3A : memref<1x1x4096xf32, #tpu.memory_space<hbm>> -> memref<4096xf32, #tpu.memory_space<hbm>>
      %dma_wait3A_173 = tpu.memref_slice %arg8[%rem3A_1, %run_scoped3A, %multiple_of3A_9] : memref<4x1x163840xf32, #tpu.memory_space<hbm>> -> memref<1x1x4096xf32, #tpu.memory_space<hbm>>
      %dma_wait3A_174 = tpu.memref_squeeze %dma_wait3A_173 : memref<1x1x4096xf32, #tpu.memory_space<hbm>> -> memref<4096xf32, #tpu.memory_space<hbm>>
      tpu.wait_dma2 semaphore(%run_scoped3A_168 : memref<!tpu.dma_semaphore, #tpu.memory_space<semaphore_mem>>) src(%arg14 : memref<4096xf32, #tpu.memory_space<vmem>>) dst(%dma_wait3A_174 : memref<4096xf32, #tpu.memory_space<hbm>>)
      tpu.yield
    }) : () -> ()
    %mul3A_15 = arith.constant 20480 : i32
    %mul3A_16 = arith.muli %div3A_2, %mul3A_15 : i32
    %add3A_17 = arith.constant 4096 : i32
    %add3A_18 = arith.addi %mul3A_16, %add3A_17 : i32
    %multiple_of3A_19 = tpu.assume_multiple %add3A_18, 4096 : i32
    "tpu.region"() ({
      %run_scoped3A_168 = tpu.sem_alloc : memref<!tpu.dma_semaphore, #tpu.memory_space<semaphore_mem>>
      %dma_start3A = tpu.memref_slice %arg3[%multiple_of3A_19] : memref<163840xi32, #tpu.memory_space<hbm>> -> memref<4096xi32, #tpu.memory_space<hbm>>
      %dma_start3A_169 = tpu.memref_slice %arg3[%multiple_of3A_19] : memref<163840xi32, #tpu.memory_space<hbm>> -> memref<4096xi32, #tpu.memory_space<hbm>>
      tpu.enqueue_dma source(%dma_start3A_169 : memref<4096xi32, #tpu.memory_space<hbm>>) target(%arg12 : memref<4096xi32, #tpu.memory_space<vmem>>) target_semaphore(%run_scoped3A_168 : memref<!tpu.dma_semaphore, #tpu.memory_space<semaphore_mem>>)
      %dma_wait3A = tpu.memref_slice %arg3[%multiple_of3A_19] : memref<163840xi32, #tpu.memory_space<hbm>> -> memref<4096xi32, #tpu.memory_space<hbm>>
      %dma_wait3A_170 = tpu.memref_slice %arg3[%multiple_of3A_19] : memref<163840xi32, #tpu.memory_space<hbm>> -> memref<4096xi32, #tpu.memory_space<hbm>>
      tpu.wait_dma2 semaphore(%run_scoped3A_168 : memref<!tpu.dma_semaphore, #tpu.memory_space<semaphore_mem>>) src(%dma_wait3A_170 : memref<4096xi32, #tpu.memory_space<hbm>>) dst(%arg12 : memref<4096xi32, #tpu.memory_space<vmem>>)
      tpu.yield
    }) : () -> ()
    "tpu.region"() ({
      %run_scoped3A_168 = tpu.sem_alloc : memref<!tpu.dma_semaphore, #tpu.memory_space<semaphore_mem>>
      %dma_start3A = tpu.memref_slice %arg4[%multiple_of3A_19] : memref<163840xi32, #tpu.memory_space<hbm>> -> memref<4096xi32, #tpu.memory_space<hbm>>
      %dma_start3A_169 = tpu.memref_slice %arg4[%multiple_of3A_19] : memref<163840xi32, #tpu.memory_space<hbm>> -> memref<4096xi32, #tpu.memory_space<hbm>>
      tpu.enqueue_dma source(%dma_start3A_169 : memref<4096xi32, #tpu.memory_space<hbm>>) target(%arg13 : memref<4096xi32, #tpu.memory_space<vmem>>) target_semaphore(%run_scoped3A_168 : memref<!tpu.dma_semaphore, #tpu.memory_space<semaphore_mem>>)
      %dma_wait3A = tpu.memref_slice %arg4[%multiple_of3A_19] : memref<163840xi32, #tpu.memory_space<hbm>> -> memref<4096xi32, #tpu.memory_space<hbm>>
      %dma_wait3A_170 = tpu.memref_slice %arg4[%multiple_of3A_19] : memref<163840xi32, #tpu.memory_space<hbm>> -> memref<4096xi32, #tpu.memory_space<hbm>>
      tpu.wait_dma2 semaphore(%run_scoped3A_168 : memref<!tpu.dma_semaphore, #tpu.memory_space<semaphore_mem>>) src(%dma_wait3A_170 : memref<4096xi32, #tpu.memory_space<hbm>>) dst(%arg13 : memref<4096xi32, #tpu.memory_space<vmem>>)
      tpu.yield
    }) : () -> ()
    %scan3A_20 = arith.constant 0 : i32
    %scan3A_21 = arith.constant 0 : i32
    %scan3A_22 = arith.constant 256 : i32
    %scan3A_23 = arith.addi %scan3A_21, %scan3A_22 : i32
    %scan3A_24 = arith.constant 1 : i32
    scf.for %scan3A_168 = %scan3A_21 to %scan3A_23 step %scan3A_24  : i32 {
      %mul3A_169 = arith.constant 16 : i32
      %mul3A_170 = arith.muli %scan3A_168, %mul3A_169 : i32
      %get3A_171 = arith.index_cast %mul3A_170 : i32 to index
      %get3A_172 = tpu.vector_load %arg12[%get3A_171] {strides = array<i32>} : memref<4096xi32, #tpu.memory_space<vmem>>, vector<16xi32>,
      %mul3A_173 = arith.constant 16 : i32
      %mul3A_174 = arith.muli %scan3A_168, %mul3A_173 : i32
      %get3A_175 = arith.index_cast %mul3A_174 : i32 to index
      %get3A_176 = tpu.vector_load %arg13[%get3A_175] {strides = array<i32>} : memref<4096xi32, #tpu.memory_space<vmem>>, vector<16xi32>,
      %broadcast_in_dim3A_177 = arith.constant 0.000000e+00 : f32
      %broadcast_in_dim3A_178 = vector.broadcast %broadcast_in_dim3A_177 : f32 to vector<16xf32>
      %add3A_179 = arith.constant 0 : i32
      %add3A_180 = vector.broadcast %add3A_179 : i32 to vector<16xi32>
      %add3A_181 = arith.addi %get3A_172, %add3A_180 : vector<16xi32>
      %gather3A_182 = tpu.vector_load_idx %arg11[%add3A_181] : memref<80128xf32, #tpu.memory_space<vmem>>[vector<16xi32>], vector<16xf32>,
      %add3A_183 = arith.constant 0 : i32
      %add3A_184 = vector.broadcast %add3A_183 : i32 to vector<16xi32>
      %add3A_185 = arith.addi %get3A_176, %add3A_184 : vector<16xi32>
      %gather3A_186 = tpu.vector_load_idx %arg11[%add3A_185] : memref<80128xf32, #tpu.memory_space<vmem>>[vector<16xi32>], vector<16xf32>,
      %mul3A_187 = arith.mulf %gather3A_182, %gather3A_186 : vector<16xf32>
      %add3A_188 = arith.addf %broadcast_in_dim3A_178, %mul3A_187 : vector<16xf32>
      %add3A_189 = arith.constant 10016 : i32
      %add3A_190 = vector.broadcast %add3A_189 : i32 to vector<16xi32>
      %add3A_191 = arith.addi %get3A_172, %add3A_190 : vector<16xi32>
      %gather3A_192 = tpu.vector_load_idx %arg11[%add3A_191] : memref<80128xf32, #tpu.memory_space<vmem>>[vector<16xi32>], vector<16xf32>,
      %add3A_193 = arith.constant 10016 : i32
      %add3A_194 = vector.broadcast %add3A_193 : i32 to vector<16xi32>
      %add3A_195 = arith.addi %get3A_176, %add3A_194 : vector<16xi32>
      %gather3A_196 = tpu.vector_load_idx %arg11[%add3A_195] : memref<80128xf32, #tpu.memory_space<vmem>>[vector<16xi32>], vector<16xf32>,
      %mul3A_197 = arith.mulf %gather3A_192, %gather3A_196 : vector<16xf32>
      %add3A_198 = arith.addf %add3A_188, %mul3A_197 : vector<16xf32>
      %add3A_199 = arith.constant 20032 : i32
      %add3A_200 = vector.broadcast %add3A_199 : i32 to vector<16xi32>
      %add3A_201 = arith.addi %get3A_172, %add3A_200 : vector<16xi32>
      %gather3A_202 = tpu.vector_load_idx %arg11[%add3A_201] : memref<80128xf32, #tpu.memory_space<vmem>>[vector<16xi32>], vector<16xf32>,
      %add3A_203 = arith.constant 20032 : i32
      %add3A_204 = vector.broadcast %add3A_203 : i32 to vector<16xi32>
      %add3A_205 = arith.addi %get3A_176, %add3A_204 : vector<16xi32>
      %gather3A_206 = tpu.vector_load_idx %arg11[%add3A_205] : memref<80128xf32, #tpu.memory_space<vmem>>[vector<16xi32>], vector<16xf32>,
      %mul3A_207 = arith.mulf %gather3A_202, %gather3A_206 : vector<16xf32>
      %add3A_208 = arith.addf %add3A_198, %mul3A_207 : vector<16xf32>
      %add3A_209 = arith.constant 30048 : i32
      %add3A_210 = vector.broadcast %add3A_209 : i32 to vector<16xi32>
      %add3A_211 = arith.addi %get3A_172, %add3A_210 : vector<16xi32>
      %gather3A_212 = tpu.vector_load_idx %arg11[%add3A_211] : memref<80128xf32, #tpu.memory_space<vmem>>[vector<16xi32>], vector<16xf32>,
      %add3A_213 = arith.constant 30048 : i32
      %add3A_214 = vector.broadcast %add3A_213 : i32 to vector<16xi32>
      %add3A_215 = arith.addi %get3A_176, %add3A_214 : vector<16xi32>
      %gather3A_216 = tpu.vector_load_idx %arg11[%add3A_215] : memref<80128xf32, #tpu.memory_space<vmem>>[vector<16xi32>], vector<16xf32>,
      %mul3A_217 = arith.mulf %gather3A_212, %gather3A_216 : vector<16xf32>
      %add3A_218 = arith.addf %add3A_208, %mul3A_217 : vector<16xf32>
      %add3A_219 = arith.constant 40064 : i32
      %add3A_220 = vector.broadcast %add3A_219 : i32 to vector<16xi32>
      %add3A_221 = arith.addi %get3A_172, %add3A_220 : vector<16xi32>
      %gather3A_222 = tpu.vector_load_idx %arg11[%add3A_221] : memref<80128xf32, #tpu.memory_space<vmem>>[vector<16xi32>], vector<16xf32>,
      %add3A_223 = arith.constant 40064 : i32
      %add3A_224 = vector.broadcast %add3A_223 : i32 to vector<16xi32>
      %add3A_225 = arith.addi %get3A_176, %add3A_224 : vector<16xi32>
      %gather3A_226 = tpu.vector_load_idx %arg11[%add3A_225] : memref<80128xf32, #tpu.memory_space<vmem>>[vector<16xi32>], vector<16xf32>,
      %mul3A_227 = arith.mulf %gather3A_222, %gather3A_226 : vector<16xf32>
      %add3A_228 = arith.addf %add3A_218, %mul3A_227 : vector<16xf32>
      %add3A_229 = arith.constant 50080 : i32
      %add3A_230 = vector.broadcast %add3A_229 : i32 to vector<16xi32>
      %add3A_231 = arith.addi %get3A_172, %add3A_230 : vector<16xi32>
      %gather3A_232 = tpu.vector_load_idx %arg11[%add3A_231] : memref<80128xf32, #tpu.memory_space<vmem>>[vector<16xi32>], vector<16xf32>,
      %add3A_233 = arith.constant 50080 : i32
      %add3A_234 = vector.broadcast %add3A_233 : i32 to vector<16xi32>
      %add3A_235 = arith.addi %get3A_176, %add3A_234 : vector<16xi32>
      %gather3A_236 = tpu.vector_load_idx %arg11[%add3A_235] : memref<80128xf32, #tpu.memory_space<vmem>>[vector<16xi32>], vector<16xf32>,
      %mul3A_237 = arith.mulf %gather3A_232, %gather3A_236 : vector<16xf32>
      %add3A_238 = arith.addf %add3A_228, %mul3A_237 : vector<16xf32>
      %add3A_239 = arith.constant 60096 : i32
      %add3A_240 = vector.broadcast %add3A_239 : i32 to vector<16xi32>
      %add3A_241 = arith.addi %get3A_172, %add3A_240 : vector<16xi32>
      %gather3A_242 = tpu.vector_load_idx %arg11[%add3A_241] : memref<80128xf32, #tpu.memory_space<vmem>>[vector<16xi32>], vector<16xf32>,
      %add3A_243 = arith.constant 60096 : i32
      %add3A_244 = vector.broadcast %add3A_243 : i32 to vector<16xi32>
      %add3A_245 = arith.addi %get3A_176, %add3A_244 : vector<16xi32>
      %gather3A_246 = tpu.vector_load_idx %arg11[%add3A_245] : memref<80128xf32, #tpu.memory_space<vmem>>[vector<16xi32>], vector<16xf32>,
      %mul3A_247 = arith.mulf %gather3A_242, %gather3A_246 : vector<16xf32>
      %add3A_248 = arith.addf %add3A_238, %mul3A_247 : vector<16xf32>
      %add3A_249 = arith.constant 70112 : i32
      %add3A_250 = vector.broadcast %add3A_249 : i32 to vector<16xi32>
      %add3A_251 = arith.addi %get3A_172, %add3A_250 : vector<16xi32>
      %gather3A_252 = tpu.vector_load_idx %arg11[%add3A_251] : memref<80128xf32, #tpu.memory_space<vmem>>[vector<16xi32>], vector<16xf32>,
      %add3A_253 = arith.constant 70112 : i32
      %add3A_254 = vector.broadcast %add3A_253 : i32 to vector<16xi32>
      %add3A_255 = arith.addi %get3A_176, %add3A_254 : vector<16xi32>
      %gather3A_256 = tpu.vector_load_idx %arg11[%add3A_255] : memref<80128xf32, #tpu.memory_space<vmem>>[vector<16xi32>], vector<16xf32>,
      %mul3A_257 = arith.mulf %gather3A_252, %gather3A_256 : vector<16xf32>
      %add3A_258 = arith.addf %add3A_248, %mul3A_257 : vector<16xf32>
      %mul3A_259 = arith.constant 16 : i32
      %mul3A_260 = arith.muli %scan3A_168, %mul3A_259 : i32
      %swap3A_261 = arith.index_cast %mul3A_260 : i32 to index
      %swap3A_262 = tpu.vector_load %arg14[%swap3A_261] {strides = array<i32>} : memref<4096xf32, #tpu.memory_space<vmem>>, vector<16xf32>,
      tpu.vector_store %arg14[%swap3A_261], %add3A_258 {strides = array<i32>} : memref<4096xf32, #tpu.memory_space<vmem>>, vector<16xf32>,
    }
    %scan3A_25 = arith.constant 256 : i32
    %run_scoped3A_26 = arith.constant 0 : i32
    "tpu.region"() ({
      %run_scoped3A_168 = tpu.sem_alloc : memref<!tpu.dma_semaphore, #tpu.memory_space<semaphore_mem>>
      %dma_start3A = tpu.memref_slice %arg8[%rem3A_1, %run_scoped3A_26, %multiple_of3A_19] : memref<4x1x163840xf32, #tpu.memory_space<hbm>> -> memref<1x1x4096xf32, #tpu.memory_space<hbm>>
      %dma_start3A_169 = tpu.memref_squeeze %dma_start3A : memref<1x1x4096xf32, #tpu.memory_space<hbm>> -> memref<4096xf32, #tpu.memory_space<hbm>>
      %dma_start3A_170 = tpu.memref_slice %arg8[%rem3A_1, %run_scoped3A_26, %multiple_of3A_19] : memref<4x1x163840xf32, #tpu.memory_space<hbm>> -> memref<1x1x4096xf32, #tpu.memory_space<hbm>>
      %dma_start3A_171 = tpu.memref_squeeze %dma_start3A_170 : memref<1x1x4096xf32, #tpu.memory_space<hbm>> -> memref<4096xf32, #tpu.memory_space<hbm>>
      tpu.enqueue_dma source(%arg14 : memref<4096xf32, #tpu.memory_space<vmem>>) target(%dma_start3A_171 : memref<4096xf32, #tpu.memory_space<hbm>>) target_semaphore(%run_scoped3A_168 : memref<!tpu.dma_semaphore, #tpu.memory_space<semaphore_mem>>)
      %dma_wait3A = tpu.memref_slice %arg8[%rem3A_1, %run_scoped3A_26, %multiple_of3A_19] : memref<4x1x163840xf32, #tpu.memory_space<hbm>> -> memref<1x1x4096xf32, #tpu.memory_space<hbm>>
      %dma_wait3A_172 = tpu.memref_squeeze %dma_wait3A : memref<1x1x4096xf32, #tpu.memory_space<hbm>> -> memref<4096xf32, #tpu.memory_space<hbm>>
      %dma_wait3A_173 = tpu.memref_slice %arg8[%rem3A_1, %run_scoped3A_26, %multiple_of3A_19] : memref<4x1x163840xf32, #tpu.memory_space<hbm>> -> memref<1x1x4096xf32, #tpu.memory_space<hbm>>
      %dma_wait3A_174 = tpu.memref_squeeze %dma_wait3A_173 : memref<1x1x4096xf32, #tpu.memory_space<hbm>> -> memref<4096xf32, #tpu.memory_space<hbm>>
      tpu.wait_dma2 semaphore(%run_scoped3A_168 : memref<!tpu.dma_semaphore, #tpu.memory_space<semaphore_mem>>) src(%arg14 : memref<4096xf32, #tpu.memory_space<vmem>>) dst(%dma_wait3A_174 : memref<4096xf32, #tpu.memory_space<hbm>>)
      tpu.yield
    }) : () -> ()
    %mul3A_27 = arith.constant 20480 : i32
    %mul3A_28 = arith.muli %div3A_2, %mul3A_27 : i32
    %add3A_29 = arith.constant 8192 : i32
    %add3A_30 = arith.addi %mul3A_28, %add3A_29 : i32
    %multiple_of3A_31 = tpu.assume_multiple %add3A_30, 4096 : i32
    "tpu.region"() ({
      %run_scoped3A_168 = tpu.sem_alloc : memref<!tpu.dma_semaphore, #tpu.memory_space<semaphore_mem>>
      %dma_start3A = tpu.memref_slice %arg3[%multiple_of3A_31] : memref<163840xi32, #tpu.memory_space<hbm>> -> memref<4096xi32, #tpu.memory_space<hbm>>
      %dma_start3A_169 = tpu.memref_slice %arg3[%multiple_of3A_31] : memref<163840xi32, #tpu.memory_space<hbm>> -> memref<4096xi32, #tpu.memory_space<hbm>>
      tpu.enqueue_dma source(%dma_start3A_169 : memref<4096xi32, #tpu.memory_space<hbm>>) target(%arg12 : memref<4096xi32, #tpu.memory_space<vmem>>) target_semaphore(%run_scoped3A_168 : memref<!tpu.dma_semaphore, #tpu.memory_space<semaphore_mem>>)
      %dma_wait3A = tpu.memref_slice %arg3[%multiple_of3A_31] : memref<163840xi32, #tpu.memory_space<hbm>> -> memref<4096xi32, #tpu.memory_space<hbm>>
      %dma_wait3A_170 = tpu.memref_slice %arg3[%multiple_of3A_31] : memref<163840xi32, #tpu.memory_space<hbm>> -> memref<4096xi32, #tpu.memory_space<hbm>>
      tpu.wait_dma2 semaphore(%run_scoped3A_168 : memref<!tpu.dma_semaphore, #tpu.memory_space<semaphore_mem>>) src(%dma_wait3A_170 : memref<4096xi32, #tpu.memory_space<hbm>>) dst(%arg12 : memref<4096xi32, #tpu.memory_space<vmem>>)
      tpu.yield
    }) : () -> ()
    "tpu.region"() ({
      %run_scoped3A_168 = tpu.sem_alloc : memref<!tpu.dma_semaphore, #tpu.memory_space<semaphore_mem>>
      %dma_start3A = tpu.memref_slice %arg4[%multiple_of3A_31] : memref<163840xi32, #tpu.memory_space<hbm>> -> memref<4096xi32, #tpu.memory_space<hbm>>
      %dma_start3A_169 = tpu.memref_slice %arg4[%multiple_of3A_31] : memref<163840xi32, #tpu.memory_space<hbm>> -> memref<4096xi32, #tpu.memory_space<hbm>>
      tpu.enqueue_dma source(%dma_start3A_169 : memref<4096xi32, #tpu.memory_space<hbm>>) target(%arg13 : memref<4096xi32, #tpu.memory_space<vmem>>) target_semaphore(%run_scoped3A_168 : memref<!tpu.dma_semaphore, #tpu.memory_space<semaphore_mem>>)
      %dma_wait3A = tpu.memref_slice %arg4[%multiple_of3A_31] : memref<163840xi32, #tpu.memory_space<hbm>> -> memref<4096xi32, #tpu.memory_space<hbm>>
      %dma_wait3A_170 = tpu.memref_slice %arg4[%multiple_of3A_31] : memref<163840xi32, #tpu.memory_space<hbm>> -> memref<4096xi32, #tpu.memory_space<hbm>>
      tpu.wait_dma2 semaphore(%run_scoped3A_168 : memref<!tpu.dma_semaphore, #tpu.memory_space<semaphore_mem>>) src(%dma_wait3A_170 : memref<4096xi32, #tpu.memory_space<hbm>>) dst(%arg13 : memref<4096xi32, #tpu.memory_space<vmem>>)
      tpu.yield
    }) : () -> ()
    %scan3A_32 = arith.constant 0 : i32
    %scan3A_33 = arith.constant 0 : i32
    %scan3A_34 = arith.constant 256 : i32
    %scan3A_35 = arith.addi %scan3A_33, %scan3A_34 : i32
    %scan3A_36 = arith.constant 1 : i32
    scf.for %scan3A_168 = %scan3A_33 to %scan3A_35 step %scan3A_36  : i32 {
      %mul3A_169 = arith.constant 16 : i32
      %mul3A_170 = arith.muli %scan3A_168, %mul3A_169 : i32
      %get3A_171 = arith.index_cast %mul3A_170 : i32 to index
      %get3A_172 = tpu.vector_load %arg12[%get3A_171] {strides = array<i32>} : memref<4096xi32, #tpu.memory_space<vmem>>, vector<16xi32>,
      %mul3A_173 = arith.constant 16 : i32
      %mul3A_174 = arith.muli %scan3A_168, %mul3A_173 : i32
      %get3A_175 = arith.index_cast %mul3A_174 : i32 to index
      %get3A_176 = tpu.vector_load %arg13[%get3A_175] {strides = array<i32>} : memref<4096xi32, #tpu.memory_space<vmem>>, vector<16xi32>,
      %broadcast_in_dim3A_177 = arith.constant 0.000000e+00 : f32
      %broadcast_in_dim3A_178 = vector.broadcast %broadcast_in_dim3A_177 : f32 to vector<16xf32>
      %add3A_179 = arith.constant 0 : i32
      %add3A_180 = vector.broadcast %add3A_179 : i32 to vector<16xi32>
      %add3A_181 = arith.addi %get3A_172, %add3A_180 : vector<16xi32>
      %gather3A_182 = tpu.vector_load_idx %arg11[%add3A_181] : memref<80128xf32, #tpu.memory_space<vmem>>[vector<16xi32>], vector<16xf32>,
      %add3A_183 = arith.constant 0 : i32
      %add3A_184 = vector.broadcast %add3A_183 : i32 to vector<16xi32>
      %add3A_185 = arith.addi %get3A_176, %add3A_184 : vector<16xi32>
      %gather3A_186 = tpu.vector_load_idx %arg11[%add3A_185] : memref<80128xf32, #tpu.memory_space<vmem>>[vector<16xi32>], vector<16xf32>,
      %mul3A_187 = arith.mulf %gather3A_182, %gather3A_186 : vector<16xf32>
      %add3A_188 = arith.addf %broadcast_in_dim3A_178, %mul3A_187 : vector<16xf32>
      %add3A_189 = arith.constant 10016 : i32
      %add3A_190 = vector.broadcast %add3A_189 : i32 to vector<16xi32>
      %add3A_191 = arith.addi %get3A_172, %add3A_190 : vector<16xi32>
      %gather3A_192 = tpu.vector_load_idx %arg11[%add3A_191] : memref<80128xf32, #tpu.memory_space<vmem>>[vector<16xi32>], vector<16xf32>,
      %add3A_193 = arith.constant 10016 : i32
      %add3A_194 = vector.broadcast %add3A_193 : i32 to vector<16xi32>
      %add3A_195 = arith.addi %get3A_176, %add3A_194 : vector<16xi32>
      %gather3A_196 = tpu.vector_load_idx %arg11[%add3A_195] : memref<80128xf32, #tpu.memory_space<vmem>>[vector<16xi32>], vector<16xf32>,
      %mul3A_197 = arith.mulf %gather3A_192, %gather3A_196 : vector<16xf32>
      %add3A_198 = arith.addf %add3A_188, %mul3A_197 : vector<16xf32>
      %add3A_199 = arith.constant 20032 : i32
      %add3A_200 = vector.broadcast %add3A_199 : i32 to vector<16xi32>
      %add3A_201 = arith.addi %get3A_172, %add3A_200 : vector<16xi32>
      %gather3A_202 = tpu.vector_load_idx %arg11[%add3A_201] : memref<80128xf32, #tpu.memory_space<vmem>>[vector<16xi32>], vector<16xf32>,
      %add3A_203 = arith.constant 20032 : i32
      %add3A_204 = vector.broadcast %add3A_203 : i32 to vector<16xi32>
      %add3A_205 = arith.addi %get3A_176, %add3A_204 : vector<16xi32>
      %gather3A_206 = tpu.vector_load_idx %arg11[%add3A_205] : memref<80128xf32, #tpu.memory_space<vmem>>[vector<16xi32>], vector<16xf32>,
      %mul3A_207 = arith.mulf %gather3A_202, %gather3A_206 : vector<16xf32>
      %add3A_208 = arith.addf %add3A_198, %mul3A_207 : vector<16xf32>
      %add3A_209 = arith.constant 30048 : i32
      %add3A_210 = vector.broadcast %add3A_209 : i32 to vector<16xi32>
      %add3A_211 = arith.addi %get3A_172, %add3A_210 : vector<16xi32>
      %gather3A_212 = tpu.vector_load_idx %arg11[%add3A_211] : memref<80128xf32, #tpu.memory_space<vmem>>[vector<16xi32>], vector<16xf32>,
      %add3A_213 = arith.constant 30048 : i32
      %add3A_214 = vector.broadcast %add3A_213 : i32 to vector<16xi32>
      %add3A_215 = arith.addi %get3A_176, %add3A_214 : vector<16xi32>
      %gather3A_216 = tpu.vector_load_idx %arg11[%add3A_215] : memref<80128xf32, #tpu.memory_space<vmem>>[vector<16xi32>], vector<16xf32>,
      %mul3A_217 = arith.mulf %gather3A_212, %gather3A_216 : vector<16xf32>
      %add3A_218 = arith.addf %add3A_208, %mul3A_217 : vector<16xf32>
      %add3A_219 = arith.constant 40064 : i32
      %add3A_220 = vector.broadcast %add3A_219 : i32 to vector<16xi32>
      %add3A_221 = arith.addi %get3A_172, %add3A_220 : vector<16xi32>
      %gather3A_222 = tpu.vector_load_idx %arg11[%add3A_221] : memref<80128xf32, #tpu.memory_space<vmem>>[vector<16xi32>], vector<16xf32>,
      %add3A_223 = arith.constant 40064 : i32
      %add3A_224 = vector.broadcast %add3A_223 : i32 to vector<16xi32>
      %add3A_225 = arith.addi %get3A_176, %add3A_224 : vector<16xi32>
      %gather3A_226 = tpu.vector_load_idx %arg11[%add3A_225] : memref<80128xf32, #tpu.memory_space<vmem>>[vector<16xi32>], vector<16xf32>,
      %mul3A_227 = arith.mulf %gather3A_222, %gather3A_226 : vector<16xf32>
      %add3A_228 = arith.addf %add3A_218, %mul3A_227 : vector<16xf32>
      %add3A_229 = arith.constant 50080 : i32
      %add3A_230 = vector.broadcast %add3A_229 : i32 to vector<16xi32>
      %add3A_231 = arith.addi %get3A_172, %add3A_230 : vector<16xi32>
      %gather3A_232 = tpu.vector_load_idx %arg11[%add3A_231] : memref<80128xf32, #tpu.memory_space<vmem>>[vector<16xi32>], vector<16xf32>,
      %add3A_233 = arith.constant 50080 : i32
      %add3A_234 = vector.broadcast %add3A_233 : i32 to vector<16xi32>
      %add3A_235 = arith.addi %get3A_176, %add3A_234 : vector<16xi32>
      %gather3A_236 = tpu.vector_load_idx %arg11[%add3A_235] : memref<80128xf32, #tpu.memory_space<vmem>>[vector<16xi32>], vector<16xf32>,
      %mul3A_237 = arith.mulf %gather3A_232, %gather3A_236 : vector<16xf32>
      %add3A_238 = arith.addf %add3A_228, %mul3A_237 : vector<16xf32>
      %add3A_239 = arith.constant 60096 : i32
      %add3A_240 = vector.broadcast %add3A_239 : i32 to vector<16xi32>
      %add3A_241 = arith.addi %get3A_172, %add3A_240 : vector<16xi32>
      %gather3A_242 = tpu.vector_load_idx %arg11[%add3A_241] : memref<80128xf32, #tpu.memory_space<vmem>>[vector<16xi32>], vector<16xf32>,
      %add3A_243 = arith.constant 60096 : i32
      %add3A_244 = vector.broadcast %add3A_243 : i32 to vector<16xi32>
      %add3A_245 = arith.addi %get3A_176, %add3A_244 : vector<16xi32>
      %gather3A_246 = tpu.vector_load_idx %arg11[%add3A_245] : memref<80128xf32, #tpu.memory_space<vmem>>[vector<16xi32>], vector<16xf32>,
      %mul3A_247 = arith.mulf %gather3A_242, %gather3A_246 : vector<16xf32>
      %add3A_248 = arith.addf %add3A_238, %mul3A_247 : vector<16xf32>
      %add3A_249 = arith.constant 70112 : i32
      %add3A_250 = vector.broadcast %add3A_249 : i32 to vector<16xi32>
      %add3A_251 = arith.addi %get3A_172, %add3A_250 : vector<16xi32>
      %gather3A_252 = tpu.vector_load_idx %arg11[%add3A_251] : memref<80128xf32, #tpu.memory_space<vmem>>[vector<16xi32>], vector<16xf32>,
      %add3A_253 = arith.constant 70112 : i32
      %add3A_254 = vector.broadcast %add3A_253 : i32 to vector<16xi32>
      %add3A_255 = arith.addi %get3A_176, %add3A_254 : vector<16xi32>
      %gather3A_256 = tpu.vector_load_idx %arg11[%add3A_255] : memref<80128xf32, #tpu.memory_space<vmem>>[vector<16xi32>], vector<16xf32>,
      %mul3A_257 = arith.mulf %gather3A_252, %gather3A_256 : vector<16xf32>
      %add3A_258 = arith.addf %add3A_248, %mul3A_257 : vector<16xf32>
      %mul3A_259 = arith.constant 16 : i32
      %mul3A_260 = arith.muli %scan3A_168, %mul3A_259 : i32
      %swap3A_261 = arith.index_cast %mul3A_260 : i32 to index
      %swap3A_262 = tpu.vector_load %arg14[%swap3A_261] {strides = array<i32>} : memref<4096xf32, #tpu.memory_space<vmem>>, vector<16xf32>,
      tpu.vector_store %arg14[%swap3A_261], %add3A_258 {strides = array<i32>} : memref<4096xf32, #tpu.memory_space<vmem>>, vector<16xf32>,
    }
    %scan3A_37 = arith.constant 256 : i32
    %run_scoped3A_38 = arith.constant 0 : i32
    "tpu.region"() ({
      %run_scoped3A_168 = tpu.sem_alloc : memref<!tpu.dma_semaphore, #tpu.memory_space<semaphore_mem>>
      %dma_start3A = tpu.memref_slice %arg8[%rem3A_1, %run_scoped3A_38, %multiple_of3A_31] : memref<4x1x163840xf32, #tpu.memory_space<hbm>> -> memref<1x1x4096xf32, #tpu.memory_space<hbm>>
      %dma_start3A_169 = tpu.memref_squeeze %dma_start3A : memref<1x1x4096xf32, #tpu.memory_space<hbm>> -> memref<4096xf32, #tpu.memory_space<hbm>>
      %dma_start3A_170 = tpu.memref_slice %arg8[%rem3A_1, %run_scoped3A_38, %multiple_of3A_31] : memref<4x1x163840xf32, #tpu.memory_space<hbm>> -> memref<1x1x4096xf32, #tpu.memory_space<hbm>>
      %dma_start3A_171 = tpu.memref_squeeze %dma_start3A_170 : memref<1x1x4096xf32, #tpu.memory_space<hbm>> -> memref<4096xf32, #tpu.memory_space<hbm>>
      tpu.enqueue_dma source(%arg14 : memref<4096xf32, #tpu.memory_space<vmem>>) target(%dma_start3A_171 : memref<4096xf32, #tpu.memory_space<hbm>>) target_semaphore(%run_scoped3A_168 : memref<!tpu.dma_semaphore, #tpu.memory_space<semaphore_mem>>)
      %dma_wait3A = tpu.memref_slice %arg8[%rem3A_1, %run_scoped3A_38, %multiple_of3A_31] : memref<4x1x163840xf32, #tpu.memory_space<hbm>> -> memref<1x1x4096xf32, #tpu.memory_space<hbm>>
      %dma_wait3A_172 = tpu.memref_squeeze %dma_wait3A : memref<1x1x4096xf32, #tpu.memory_space<hbm>> -> memref<4096xf32, #tpu.memory_space<hbm>>
      %dma_wait3A_173 = tpu.memref_slice %arg8[%rem3A_1, %run_scoped3A_38, %multiple_of3A_31] : memref<4x1x163840xf32, #tpu.memory_space<hbm>> -> memref<1x1x4096xf32, #tpu.memory_space<hbm>>
      %dma_wait3A_174 = tpu.memref_squeeze %dma_wait3A_173 : memref<1x1x4096xf32, #tpu.memory_space<hbm>> -> memref<4096xf32, #tpu.memory_space<hbm>>
      tpu.wait_dma2 semaphore(%run_scoped3A_168 : memref<!tpu.dma_semaphore, #tpu.memory_space<semaphore_mem>>) src(%arg14 : memref<4096xf32, #tpu.memory_space<vmem>>) dst(%dma_wait3A_174 : memref<4096xf32, #tpu.memory_space<hbm>>)
      tpu.yield
    }) : () -> ()
    %mul3A_39 = arith.constant 20480 : i32
    %mul3A_40 = arith.muli %div3A_2, %mul3A_39 : i32
    %add3A_41 = arith.constant 12288 : i32
    %add3A_42 = arith.addi %mul3A_40, %add3A_41 : i32
    %multiple_of3A_43 = tpu.assume_multiple %add3A_42, 4096 : i32
    "tpu.region"() ({
      %run_scoped3A_168 = tpu.sem_alloc : memref<!tpu.dma_semaphore, #tpu.memory_space<semaphore_mem>>
      %dma_start3A = tpu.memref_slice %arg3[%multiple_of3A_43] : memref<163840xi32, #tpu.memory_space<hbm>> -> memref<4096xi32, #tpu.memory_space<hbm>>
      %dma_start3A_169 = tpu.memref_slice %arg3[%multiple_of3A_43] : memref<163840xi32, #tpu.memory_space<hbm>> -> memref<4096xi32, #tpu.memory_space<hbm>>
      tpu.enqueue_dma source(%dma_start3A_169 : memref<4096xi32, #tpu.memory_space<hbm>>) target(%arg12 : memref<4096xi32, #tpu.memory_space<vmem>>) target_semaphore(%run_scoped3A_168 : memref<!tpu.dma_semaphore, #tpu.memory_space<semaphore_mem>>)
      %dma_wait3A = tpu.memref_slice %arg3[%multiple_of3A_43] : memref<163840xi32, #tpu.memory_space<hbm>> -> memref<4096xi32, #tpu.memory_space<hbm>>
      %dma_wait3A_170 = tpu.memref_slice %arg3[%multiple_of3A_43] : memref<163840xi32, #tpu.memory_space<hbm>> -> memref<4096xi32, #tpu.memory_space<hbm>>
      tpu.wait_dma2 semaphore(%run_scoped3A_168 : memref<!tpu.dma_semaphore, #tpu.memory_space<semaphore_mem>>) src(%dma_wait3A_170 : memref<4096xi32, #tpu.memory_space<hbm>>) dst(%arg12 : memref<4096xi32, #tpu.memory_space<vmem>>)
      tpu.yield
    }) : () -> ()
    "tpu.region"() ({
      %run_scoped3A_168 = tpu.sem_alloc : memref<!tpu.dma_semaphore, #tpu.memory_space<semaphore_mem>>
      %dma_start3A = tpu.memref_slice %arg4[%multiple_of3A_43] : memref<163840xi32, #tpu.memory_space<hbm>> -> memref<4096xi32, #tpu.memory_space<hbm>>
      %dma_start3A_169 = tpu.memref_slice %arg4[%multiple_of3A_43] : memref<163840xi32, #tpu.memory_space<hbm>> -> memref<4096xi32, #tpu.memory_space<hbm>>
      tpu.enqueue_dma source(%dma_start3A_169 : memref<4096xi32, #tpu.memory_space<hbm>>) target(%arg13 : memref<4096xi32, #tpu.memory_space<vmem>>) target_semaphore(%run_scoped3A_168 : memref<!tpu.dma_semaphore, #tpu.memory_space<semaphore_mem>>)
      %dma_wait3A = tpu.memref_slice %arg4[%multiple_of3A_43] : memref<163840xi32, #tpu.memory_space<hbm>> -> memref<4096xi32, #tpu.memory_space<hbm>>
      %dma_wait3A_170 = tpu.memref_slice %arg4[%multiple_of3A_43] : memref<163840xi32, #tpu.memory_space<hbm>> -> memref<4096xi32, #tpu.memory_space<hbm>>
      tpu.wait_dma2 semaphore(%run_scoped3A_168 : memref<!tpu.dma_semaphore, #tpu.memory_space<semaphore_mem>>) src(%dma_wait3A_170 : memref<4096xi32, #tpu.memory_space<hbm>>) dst(%arg13 : memref<4096xi32, #tpu.memory_space<vmem>>)
      tpu.yield
    }) : () -> ()
    %scan3A_44 = arith.constant 0 : i32
    %scan3A_45 = arith.constant 0 : i32
    %scan3A_46 = arith.constant 256 : i32
    %scan3A_47 = arith.addi %scan3A_45, %scan3A_46 : i32
    %scan3A_48 = arith.constant 1 : i32
    scf.for %scan3A_168 = %scan3A_45 to %scan3A_47 step %scan3A_48  : i32 {
      %mul3A_169 = arith.constant 16 : i32
      %mul3A_170 = arith.muli %scan3A_168, %mul3A_169 : i32
      %get3A_171 = arith.index_cast %mul3A_170 : i32 to index
      %get3A_172 = tpu.vector_load %arg12[%get3A_171] {strides = array<i32>} : memref<4096xi32, #tpu.memory_space<vmem>>, vector<16xi32>,
      %mul3A_173 = arith.constant 16 : i32
      %mul3A_174 = arith.muli %scan3A_168, %mul3A_173 : i32
      %get3A_175 = arith.index_cast %mul3A_174 : i32 to index
      %get3A_176 = tpu.vector_load %arg13[%get3A_175] {strides = array<i32>} : memref<4096xi32, #tpu.memory_space<vmem>>, vector<16xi32>,
      %broadcast_in_dim3A_177 = arith.constant 0.000000e+00 : f32
      %broadcast_in_dim3A_178 = vector.broadcast %broadcast_in_dim3A_177 : f32 to vector<16xf32>
      %add3A_179 = arith.constant 0 : i32
      %add3A_180 = vector.broadcast %add3A_179 : i32 to vector<16xi32>
      %add3A_181 = arith.addi %get3A_172, %add3A_180 : vector<16xi32>
      %gather3A_182 = tpu.vector_load_idx %arg11[%add3A_181] : memref<80128xf32, #tpu.memory_space<vmem>>[vector<16xi32>], vector<16xf32>,
      %add3A_183 = arith.constant 0 : i32
      %add3A_184 = vector.broadcast %add3A_183 : i32 to vector<16xi32>
      %add3A_185 = arith.addi %get3A_176, %add3A_184 : vector<16xi32>
      %gather3A_186 = tpu.vector_load_idx %arg11[%add3A_185] : memref<80128xf32, #tpu.memory_space<vmem>>[vector<16xi32>], vector<16xf32>,
      %mul3A_187 = arith.mulf %gather3A_182, %gather3A_186 : vector<16xf32>
      %add3A_188 = arith.addf %broadcast_in_dim3A_178, %mul3A_187 : vector<16xf32>
      %add3A_189 = arith.constant 10016 : i32
      %add3A_190 = vector.broadcast %add3A_189 : i32 to vector<16xi32>
      %add3A_191 = arith.addi %get3A_172, %add3A_190 : vector<16xi32>
      %gather3A_192 = tpu.vector_load_idx %arg11[%add3A_191] : memref<80128xf32, #tpu.memory_space<vmem>>[vector<16xi32>], vector<16xf32>,
      %add3A_193 = arith.constant 10016 : i32
      %add3A_194 = vector.broadcast %add3A_193 : i32 to vector<16xi32>
      %add3A_195 = arith.addi %get3A_176, %add3A_194 : vector<16xi32>
      %gather3A_196 = tpu.vector_load_idx %arg11[%add3A_195] : memref<80128xf32, #tpu.memory_space<vmem>>[vector<16xi32>], vector<16xf32>,
      %mul3A_197 = arith.mulf %gather3A_192, %gather3A_196 : vector<16xf32>
      %add3A_198 = arith.addf %add3A_188, %mul3A_197 : vector<16xf32>
      %add3A_199 = arith.constant 20032 : i32
      %add3A_200 = vector.broadcast %add3A_199 : i32 to vector<16xi32>
      %add3A_201 = arith.addi %get3A_172, %add3A_200 : vector<16xi32>
      %gather3A_202 = tpu.vector_load_idx %arg11[%add3A_201] : memref<80128xf32, #tpu.memory_space<vmem>>[vector<16xi32>], vector<16xf32>,
      %add3A_203 = arith.constant 20032 : i32
      %add3A_204 = vector.broadcast %add3A_203 : i32 to vector<16xi32>
      %add3A_205 = arith.addi %get3A_176, %add3A_204 : vector<16xi32>
      %gather3A_206 = tpu.vector_load_idx %arg11[%add3A_205] : memref<80128xf32, #tpu.memory_space<vmem>>[vector<16xi32>], vector<16xf32>,
      %mul3A_207 = arith.mulf %gather3A_202, %gather3A_206 : vector<16xf32>
      %add3A_208 = arith.addf %add3A_198, %mul3A_207 : vector<16xf32>
      %add3A_209 = arith.constant 30048 : i32
      %add3A_210 = vector.broadcast %add3A_209 : i32 to vector<16xi32>
      %add3A_211 = arith.addi %get3A_172, %add3A_210 : vector<16xi32>
      %gather3A_212 = tpu.vector_load_idx %arg11[%add3A_211] : memref<80128xf32, #tpu.memory_space<vmem>>[vector<16xi32>], vector<16xf32>,
      %add3A_213 = arith.constant 30048 : i32
      %add3A_214 = vector.broadcast %add3A_213 : i32 to vector<16xi32>
      %add3A_215 = arith.addi %get3A_176, %add3A_214 : vector<16xi32>
      %gather3A_216 = tpu.vector_load_idx %arg11[%add3A_215] : memref<80128xf32, #tpu.memory_space<vmem>>[vector<16xi32>], vector<16xf32>,
      %mul3A_217 = arith.mulf %gather3A_212, %gather3A_216 : vector<16xf32>
      %add3A_218 = arith.addf %add3A_208, %mul3A_217 : vector<16xf32>
      %add3A_219 = arith.constant 40064 : i32
      %add3A_220 = vector.broadcast %add3A_219 : i32 to vector<16xi32>
      %add3A_221 = arith.addi %get3A_172, %add3A_220 : vector<16xi32>
      %gather3A_222 = tpu.vector_load_idx %arg11[%add3A_221] : memref<80128xf32, #tpu.memory_space<vmem>>[vector<16xi32>], vector<16xf32>,
      %add3A_223 = arith.constant 40064 : i32
      %add3A_224 = vector.broadcast %add3A_223 : i32 to vector<16xi32>
      %add3A_225 = arith.addi %get3A_176, %add3A_224 : vector<16xi32>
      %gather3A_226 = tpu.vector_load_idx %arg11[%add3A_225] : memref<80128xf32, #tpu.memory_space<vmem>>[vector<16xi32>], vector<16xf32>,
      %mul3A_227 = arith.mulf %gather3A_222, %gather3A_226 : vector<16xf32>
      %add3A_228 = arith.addf %add3A_218, %mul3A_227 : vector<16xf32>
      %add3A_229 = arith.constant 50080 : i32
      %add3A_230 = vector.broadcast %add3A_229 : i32 to vector<16xi32>
      %add3A_231 = arith.addi %get3A_172, %add3A_230 : vector<16xi32>
      %gather3A_232 = tpu.vector_load_idx %arg11[%add3A_231] : memref<80128xf32, #tpu.memory_space<vmem>>[vector<16xi32>], vector<16xf32>,
      %add3A_233 = arith.constant 50080 : i32
      %add3A_234 = vector.broadcast %add3A_233 : i32 to vector<16xi32>
      %add3A_235 = arith.addi %get3A_176, %add3A_234 : vector<16xi32>
      %gather3A_236 = tpu.vector_load_idx %arg11[%add3A_235] : memref<80128xf32, #tpu.memory_space<vmem>>[vector<16xi32>], vector<16xf32>,
      %mul3A_237 = arith.mulf %gather3A_232, %gather3A_236 : vector<16xf32>
      %add3A_238 = arith.addf %add3A_228, %mul3A_237 : vector<16xf32>
      %add3A_239 = arith.constant 60096 : i32
      %add3A_240 = vector.broadcast %add3A_239 : i32 to vector<16xi32>
      %add3A_241 = arith.addi %get3A_172, %add3A_240 : vector<16xi32>
      %gather3A_242 = tpu.vector_load_idx %arg11[%add3A_241] : memref<80128xf32, #tpu.memory_space<vmem>>[vector<16xi32>], vector<16xf32>,
      %add3A_243 = arith.constant 60096 : i32
      %add3A_244 = vector.broadcast %add3A_243 : i32 to vector<16xi32>
      %add3A_245 = arith.addi %get3A_176, %add3A_244 : vector<16xi32>
      %gather3A_246 = tpu.vector_load_idx %arg11[%add3A_245] : memref<80128xf32, #tpu.memory_space<vmem>>[vector<16xi32>], vector<16xf32>,
      %mul3A_247 = arith.mulf %gather3A_242, %gather3A_246 : vector<16xf32>
      %add3A_248 = arith.addf %add3A_238, %mul3A_247 : vector<16xf32>
      %add3A_249 = arith.constant 70112 : i32
      %add3A_250 = vector.broadcast %add3A_249 : i32 to vector<16xi32>
      %add3A_251 = arith.addi %get3A_172, %add3A_250 : vector<16xi32>
      %gather3A_252 = tpu.vector_load_idx %arg11[%add3A_251] : memref<80128xf32, #tpu.memory_space<vmem>>[vector<16xi32>], vector<16xf32>,
      %add3A_253 = arith.constant 70112 : i32
      %add3A_254 = vector.broadcast %add3A_253 : i32 to vector<16xi32>
      %add3A_255 = arith.addi %get3A_176, %add3A_254 : vector<16xi32>
      %gather3A_256 = tpu.vector_load_idx %arg11[%add3A_255] : memref<80128xf32, #tpu.memory_space<vmem>>[vector<16xi32>], vector<16xf32>,
      %mul3A_257 = arith.mulf %gather3A_252, %gather3A_256 : vector<16xf32>
      %add3A_258 = arith.addf %add3A_248, %mul3A_257 : vector<16xf32>
      %mul3A_259 = arith.constant 16 : i32
      %mul3A_260 = arith.muli %scan3A_168, %mul3A_259 : i32
      %swap3A_261 = arith.index_cast %mul3A_260 : i32 to index
      %swap3A_262 = tpu.vector_load %arg14[%swap3A_261] {strides = array<i32>} : memref<4096xf32, #tpu.memory_space<vmem>>, vector<16xf32>,
      tpu.vector_store %arg14[%swap3A_261], %add3A_258 {strides = array<i32>} : memref<4096xf32, #tpu.memory_space<vmem>>, vector<16xf32>,
    }
    %scan3A_49 = arith.constant 256 : i32
    %run_scoped3A_50 = arith.constant 0 : i32
    "tpu.region"() ({
      %run_scoped3A_168 = tpu.sem_alloc : memref<!tpu.dma_semaphore, #tpu.memory_space<semaphore_mem>>
      %dma_start3A = tpu.memref_slice %arg8[%rem3A_1, %run_scoped3A_50, %multiple_of3A_43] : memref<4x1x163840xf32, #tpu.memory_space<hbm>> -> memref<1x1x4096xf32, #tpu.memory_space<hbm>>
      %dma_start3A_169 = tpu.memref_squeeze %dma_start3A : memref<1x1x4096xf32, #tpu.memory_space<hbm>> -> memref<4096xf32, #tpu.memory_space<hbm>>
      %dma_start3A_170 = tpu.memref_slice %arg8[%rem3A_1, %run_scoped3A_50, %multiple_of3A_43] : memref<4x1x163840xf32, #tpu.memory_space<hbm>> -> memref<1x1x4096xf32, #tpu.memory_space<hbm>>
      %dma_start3A_171 = tpu.memref_squeeze %dma_start3A_170 : memref<1x1x4096xf32, #tpu.memory_space<hbm>> -> memref<4096xf32, #tpu.memory_space<hbm>>
      tpu.enqueue_dma source(%arg14 : memref<4096xf32, #tpu.memory_space<vmem>>) target(%dma_start3A_171 : memref<4096xf32, #tpu.memory_space<hbm>>) target_semaphore(%run_scoped3A_168 : memref<!tpu.dma_semaphore, #tpu.memory_space<semaphore_mem>>)
      %dma_wait3A = tpu.memref_slice %arg8[%rem3A_1, %run_scoped3A_50, %multiple_of3A_43] : memref<4x1x163840xf32, #tpu.memory_space<hbm>> -> memref<1x1x4096xf32, #tpu.memory_space<hbm>>
      %dma_wait3A_172 = tpu.memref_squeeze %dma_wait3A : memref<1x1x4096xf32, #tpu.memory_space<hbm>> -> memref<4096xf32, #tpu.memory_space<hbm>>
      %dma_wait3A_173 = tpu.memref_slice %arg8[%rem3A_1, %run_scoped3A_50, %multiple_of3A_43] : memref<4x1x163840xf32, #tpu.memory_space<hbm>> -> memref<1x1x4096xf32, #tpu.memory_space<hbm>>
      %dma_wait3A_174 = tpu.memref_squeeze %dma_wait3A_173 : memref<1x1x4096xf32, #tpu.memory_space<hbm>> -> memref<4096xf32, #tpu.memory_space<hbm>>
      tpu.wait_dma2 semaphore(%run_scoped3A_168 : memref<!tpu.dma_semaphore, #tpu.memory_space<semaphore_mem>>) src(%arg14 : memref<4096xf32, #tpu.memory_space<vmem>>) dst(%dma_wait3A_174 : memref<4096xf32, #tpu.memory_space<hbm>>)
      tpu.yield
    }) : () -> ()
    %mul3A_51 = arith.constant 20480 : i32
    %mul3A_52 = arith.muli %div3A_2, %mul3A_51 : i32
    %add3A_53 = arith.constant 16384 : i32
    %add3A_54 = arith.addi %mul3A_52, %add3A_53 : i32
    %multiple_of3A_55 = tpu.assume_multiple %add3A_54, 4096 : i32
    "tpu.region"() ({
      %run_scoped3A_168 = tpu.sem_alloc : memref<!tpu.dma_semaphore, #tpu.memory_space<semaphore_mem>>
      %dma_start3A = tpu.memref_slice %arg3[%multiple_of3A_55] : memref<163840xi32, #tpu.memory_space<hbm>> -> memref<4096xi32, #tpu.memory_space<hbm>>
      %dma_start3A_169 = tpu.memref_slice %arg3[%multiple_of3A_55] : memref<163840xi32, #tpu.memory_space<hbm>> -> memref<4096xi32, #tpu.memory_space<hbm>>
      tpu.enqueue_dma source(%dma_start3A_169 : memref<4096xi32, #tpu.memory_space<hbm>>) target(%arg12 : memref<4096xi32, #tpu.memory_space<vmem>>) target_semaphore(%run_scoped3A_168 : memref<!tpu.dma_semaphore, #tpu.memory_space<semaphore_mem>>)
      %dma_wait3A = tpu.memref_slice %arg3[%multiple_of3A_55] : memref<163840xi32, #tpu.memory_space<hbm>> -> memref<4096xi32, #tpu.memory_space<hbm>>
      %dma_wait3A_170 = tpu.memref_slice %arg3[%multiple_of3A_55] : memref<163840xi32, #tpu.memory_space<hbm>> -> memref<4096xi32, #tpu.memory_space<hbm>>
      tpu.wait_dma2 semaphore(%run_scoped3A_168 : memref<!tpu.dma_semaphore, #tpu.memory_space<semaphore_mem>>) src(%dma_wait3A_170 : memref<4096xi32, #tpu.memory_space<hbm>>) dst(%arg12 : memref<4096xi32, #tpu.memory_space<vmem>>)
      tpu.yield
    }) : () -> ()
    "tpu.region"() ({
      %run_scoped3A_168 = tpu.sem_alloc : memref<!tpu.dma_semaphore, #tpu.memory_space<semaphore_mem>>
      %dma_start3A = tpu.memref_slice %arg4[%multiple_of3A_55] : memref<163840xi32, #tpu.memory_space<hbm>> -> memref<4096xi32, #tpu.memory_space<hbm>>
      %dma_start3A_169 = tpu.memref_slice %arg4[%multiple_of3A_55] : memref<163840xi32, #tpu.memory_space<hbm>> -> memref<4096xi32, #tpu.memory_space<hbm>>
      tpu.enqueue_dma source(%dma_start3A_169 : memref<4096xi32, #tpu.memory_space<hbm>>) target(%arg13 : memref<4096xi32, #tpu.memory_space<vmem>>) target_semaphore(%run_scoped3A_168 : memref<!tpu.dma_semaphore, #tpu.memory_space<semaphore_mem>>)
      %dma_wait3A = tpu.memref_slice %arg4[%multiple_of3A_55] : memref<163840xi32, #tpu.memory_space<hbm>> -> memref<4096xi32, #tpu.memory_space<hbm>>
      %dma_wait3A_170 = tpu.memref_slice %arg4[%multiple_of3A_55] : memref<163840xi32, #tpu.memory_space<hbm>> -> memref<4096xi32, #tpu.memory_space<hbm>>
      tpu.wait_dma2 semaphore(%run_scoped3A_168 : memref<!tpu.dma_semaphore, #tpu.memory_space<semaphore_mem>>) src(%dma_wait3A_170 : memref<4096xi32, #tpu.memory_space<hbm>>) dst(%arg13 : memref<4096xi32, #tpu.memory_space<vmem>>)
      tpu.yield
    }) : () -> ()
    %scan3A_56 = arith.constant 0 : i32
    %scan3A_57 = arith.constant 0 : i32
    %scan3A_58 = arith.constant 256 : i32
    %scan3A_59 = arith.addi %scan3A_57, %scan3A_58 : i32
    %scan3A_60 = arith.constant 1 : i32
    scf.for %scan3A_168 = %scan3A_57 to %scan3A_59 step %scan3A_60  : i32 {
      %mul3A_169 = arith.constant 16 : i32
      %mul3A_170 = arith.muli %scan3A_168, %mul3A_169 : i32
      %get3A_171 = arith.index_cast %mul3A_170 : i32 to index
      %get3A_172 = tpu.vector_load %arg12[%get3A_171] {strides = array<i32>} : memref<4096xi32, #tpu.memory_space<vmem>>, vector<16xi32>,
      %mul3A_173 = arith.constant 16 : i32
      %mul3A_174 = arith.muli %scan3A_168, %mul3A_173 : i32
      %get3A_175 = arith.index_cast %mul3A_174 : i32 to index
      %get3A_176 = tpu.vector_load %arg13[%get3A_175] {strides = array<i32>} : memref<4096xi32, #tpu.memory_space<vmem>>, vector<16xi32>,
      %broadcast_in_dim3A_177 = arith.constant 0.000000e+00 : f32
      %broadcast_in_dim3A_178 = vector.broadcast %broadcast_in_dim3A_177 : f32 to vector<16xf32>
      %add3A_179 = arith.constant 0 : i32
      %add3A_180 = vector.broadcast %add3A_179 : i32 to vector<16xi32>
      %add3A_181 = arith.addi %get3A_172, %add3A_180 : vector<16xi32>
      %gather3A_182 = tpu.vector_load_idx %arg11[%add3A_181] : memref<80128xf32, #tpu.memory_space<vmem>>[vector<16xi32>], vector<16xf32>,
      %add3A_183 = arith.constant 0 : i32
      %add3A_184 = vector.broadcast %add3A_183 : i32 to vector<16xi32>
      %add3A_185 = arith.addi %get3A_176, %add3A_184 : vector<16xi32>
      %gather3A_186 = tpu.vector_load_idx %arg11[%add3A_185] : memref<80128xf32, #tpu.memory_space<vmem>>[vector<16xi32>], vector<16xf32>,
      %mul3A_187 = arith.mulf %gather3A_182, %gather3A_186 : vector<16xf32>
      %add3A_188 = arith.addf %broadcast_in_dim3A_178, %mul3A_187 : vector<16xf32>
      %add3A_189 = arith.constant 10016 : i32
      %add3A_190 = vector.broadcast %add3A_189 : i32 to vector<16xi32>
      %add3A_191 = arith.addi %get3A_172, %add3A_190 : vector<16xi32>
      %gather3A_192 = tpu.vector_load_idx %arg11[%add3A_191] : memref<80128xf32, #tpu.memory_space<vmem>>[vector<16xi32>], vector<16xf32>,
      %add3A_193 = arith.constant 10016 : i32
      %add3A_194 = vector.broadcast %add3A_193 : i32 to vector<16xi32>
      %add3A_195 = arith.addi %get3A_176, %add3A_194 : vector<16xi32>
      %gather3A_196 = tpu.vector_load_idx %arg11[%add3A_195] : memref<80128xf32, #tpu.memory_space<vmem>>[vector<16xi32>], vector<16xf32>,
      %mul3A_197 = arith.mulf %gather3A_192, %gather3A_196 : vector<16xf32>
      %add3A_198 = arith.addf %add3A_188, %mul3A_197 : vector<16xf32>
      %add3A_199 = arith.constant 20032 : i32
      %add3A_200 = vector.broadcast %add3A_199 : i32 to vector<16xi32>
      %add3A_201 = arith.addi %get3A_172, %add3A_200 : vector<16xi32>
      %gather3A_202 = tpu.vector_load_idx %arg11[%add3A_201] : memref<80128xf32, #tpu.memory_space<vmem>>[vector<16xi32>], vector<16xf32>,
      %add3A_203 = arith.constant 20032 : i32
      %add3A_204 = vector.broadcast %add3A_203 : i32 to vector<16xi32>
      %add3A_205 = arith.addi %get3A_176, %add3A_204 : vector<16xi32>
      %gather3A_206 = tpu.vector_load_idx %arg11[%add3A_205] : memref<80128xf32, #tpu.memory_space<vmem>>[vector<16xi32>], vector<16xf32>,
      %mul3A_207 = arith.mulf %gather3A_202, %gather3A_206 : vector<16xf32>
      %add3A_208 = arith.addf %add3A_198, %mul3A_207 : vector<16xf32>
      %add3A_209 = arith.constant 30048 : i32
      %add3A_210 = vector.broadcast %add3A_209 : i32 to vector<16xi32>
      %add3A_211 = arith.addi %get3A_172, %add3A_210 : vector<16xi32>
      %gather3A_212 = tpu.vector_load_idx %arg11[%add3A_211] : memref<80128xf32, #tpu.memory_space<vmem>>[vector<16xi32>], vector<16xf32>,
      %add3A_213 = arith.constant 30048 : i32
      %add3A_214 = vector.broadcast %add3A_213 : i32 to vector<16xi32>
      %add3A_215 = arith.addi %get3A_176, %add3A_214 : vector<16xi32>
      %gather3A_216 = tpu.vector_load_idx %arg11[%add3A_215] : memref<80128xf32, #tpu.memory_space<vmem>>[vector<16xi32>], vector<16xf32>,
      %mul3A_217 = arith.mulf %gather3A_212, %gather3A_216 : vector<16xf32>
      %add3A_218 = arith.addf %add3A_208, %mul3A_217 : vector<16xf32>
      %add3A_219 = arith.constant 40064 : i32
      %add3A_220 = vector.broadcast %add3A_219 : i32 to vector<16xi32>
      %add3A_221 = arith.addi %get3A_172, %add3A_220 : vector<16xi32>
      %gather3A_222 = tpu.vector_load_idx %arg11[%add3A_221] : memref<80128xf32, #tpu.memory_space<vmem>>[vector<16xi32>], vector<16xf32>,
      %add3A_223 = arith.constant 40064 : i32
      %add3A_224 = vector.broadcast %add3A_223 : i32 to vector<16xi32>
      %add3A_225 = arith.addi %get3A_176, %add3A_224 : vector<16xi32>
      %gather3A_226 = tpu.vector_load_idx %arg11[%add3A_225] : memref<80128xf32, #tpu.memory_space<vmem>>[vector<16xi32>], vector<16xf32>,
      %mul3A_227 = arith.mulf %gather3A_222, %gather3A_226 : vector<16xf32>
      %add3A_228 = arith.addf %add3A_218, %mul3A_227 : vector<16xf32>
      %add3A_229 = arith.constant 50080 : i32
      %add3A_230 = vector.broadcast %add3A_229 : i32 to vector<16xi32>
      %add3A_231 = arith.addi %get3A_172, %add3A_230 : vector<16xi32>
      %gather3A_232 = tpu.vector_load_idx %arg11[%add3A_231] : memref<80128xf32, #tpu.memory_space<vmem>>[vector<16xi32>], vector<16xf32>,
      %add3A_233 = arith.constant 50080 : i32
      %add3A_234 = vector.broadcast %add3A_233 : i32 to vector<16xi32>
      %add3A_235 = arith.addi %get3A_176, %add3A_234 : vector<16xi32>
      %gather3A_236 = tpu.vector_load_idx %arg11[%add3A_235] : memref<80128xf32, #tpu.memory_space<vmem>>[vector<16xi32>], vector<16xf32>,
      %mul3A_237 = arith.mulf %gather3A_232, %gather3A_236 : vector<16xf32>
      %add3A_238 = arith.addf %add3A_228, %mul3A_237 : vector<16xf32>
      %add3A_239 = arith.constant 60096 : i32
      %add3A_240 = vector.broadcast %add3A_239 : i32 to vector<16xi32>
      %add3A_241 = arith.addi %get3A_172, %add3A_240 : vector<16xi32>
      %gather3A_242 = tpu.vector_load_idx %arg11[%add3A_241] : memref<80128xf32, #tpu.memory_space<vmem>>[vector<16xi32>], vector<16xf32>,
      %add3A_243 = arith.constant 60096 : i32
      %add3A_244 = vector.broadcast %add3A_243 : i32 to vector<16xi32>
      %add3A_245 = arith.addi %get3A_176, %add3A_244 : vector<16xi32>
      %gather3A_246 = tpu.vector_load_idx %arg11[%add3A_245] : memref<80128xf32, #tpu.memory_space<vmem>>[vector<16xi32>], vector<16xf32>,
      %mul3A_247 = arith.mulf %gather3A_242, %gather3A_246 : vector<16xf32>
      %add3A_248 = arith.addf %add3A_238, %mul3A_247 : vector<16xf32>
      %add3A_249 = arith.constant 70112 : i32
      %add3A_250 = vector.broadcast %add3A_249 : i32 to vector<16xi32>
      %add3A_251 = arith.addi %get3A_172, %add3A_250 : vector<16xi32>
      %gather3A_252 = tpu.vector_load_idx %arg11[%add3A_251] : memref<80128xf32, #tpu.memory_space<vmem>>[vector<16xi32>], vector<16xf32>,
      %add3A_253 = arith.constant 70112 : i32
      %add3A_254 = vector.broadcast %add3A_253 : i32 to vector<16xi32>
      %add3A_255 = arith.addi %get3A_176, %add3A_254 : vector<16xi32>
      %gather3A_256 = tpu.vector_load_idx %arg11[%add3A_255] : memref<80128xf32, #tpu.memory_space<vmem>>[vector<16xi32>], vector<16xf32>,
      %mul3A_257 = arith.mulf %gather3A_252, %gather3A_256 : vector<16xf32>
      %add3A_258 = arith.addf %add3A_248, %mul3A_257 : vector<16xf32>
      %mul3A_259 = arith.constant 16 : i32
      %mul3A_260 = arith.muli %scan3A_168, %mul3A_259 : i32
      %swap3A_261 = arith.index_cast %mul3A_260 : i32 to index
      %swap3A_262 = tpu.vector_load %arg14[%swap3A_261] {strides = array<i32>} : memref<4096xf32, #tpu.memory_space<vmem>>, vector<16xf32>,
      tpu.vector_store %arg14[%swap3A_261], %add3A_258 {strides = array<i32>} : memref<4096xf32, #tpu.memory_space<vmem>>, vector<16xf32>,
    }
    %scan3A_61 = arith.constant 256 : i32
    %run_scoped3A_62 = arith.constant 0 : i32
    "tpu.region"() ({
      %run_scoped3A_168 = tpu.sem_alloc : memref<!tpu.dma_semaphore, #tpu.memory_space<semaphore_mem>>
      %dma_start3A = tpu.memref_slice %arg8[%rem3A_1, %run_scoped3A_62, %multiple_of3A_55] : memref<4x1x163840xf32, #tpu.memory_space<hbm>> -> memref<1x1x4096xf32, #tpu.memory_space<hbm>>
      %dma_start3A_169 = tpu.memref_squeeze %dma_start3A : memref<1x1x4096xf32, #tpu.memory_space<hbm>> -> memref<4096xf32, #tpu.memory_space<hbm>>
      %dma_start3A_170 = tpu.memref_slice %arg8[%rem3A_1, %run_scoped3A_62, %multiple_of3A_55] : memref<4x1x163840xf32, #tpu.memory_space<hbm>> -> memref<1x1x4096xf32, #tpu.memory_space<hbm>>
      %dma_start3A_171 = tpu.memref_squeeze %dma_start3A_170 : memref<1x1x4096xf32, #tpu.memory_space<hbm>> -> memref<4096xf32, #tpu.memory_space<hbm>>
      tpu.enqueue_dma source(%arg14 : memref<4096xf32, #tpu.memory_space<vmem>>) target(%dma_start3A_171 : memref<4096xf32, #tpu.memory_space<hbm>>) target_semaphore(%run_scoped3A_168 : memref<!tpu.dma_semaphore, #tpu.memory_space<semaphore_mem>>)
      %dma_wait3A = tpu.memref_slice %arg8[%rem3A_1, %run_scoped3A_62, %multiple_of3A_55] : memref<4x1x163840xf32, #tpu.memory_space<hbm>> -> memref<1x1x4096xf32, #tpu.memory_space<hbm>>
      %dma_wait3A_172 = tpu.memref_squeeze %dma_wait3A : memref<1x1x4096xf32, #tpu.memory_space<hbm>> -> memref<4096xf32, #tpu.memory_space<hbm>>
      %dma_wait3A_173 = tpu.memref_slice %arg8[%rem3A_1, %run_scoped3A_62, %multiple_of3A_55] : memref<4x1x163840xf32, #tpu.memory_space<hbm>> -> memref<1x1x4096xf32, #tpu.memory_space<hbm>>
      %dma_wait3A_174 = tpu.memref_squeeze %dma_wait3A_173 : memref<1x1x4096xf32, #tpu.memory_space<hbm>> -> memref<4096xf32, #tpu.memory_space<hbm>>
      tpu.wait_dma2 semaphore(%run_scoped3A_168 : memref<!tpu.dma_semaphore, #tpu.memory_space<semaphore_mem>>) src(%arg14 : memref<4096xf32, #tpu.memory_space<vmem>>) dst(%dma_wait3A_174 : memref<4096xf32, #tpu.memory_space<hbm>>)
      tpu.yield
    }) : () -> ()
    "tpu.region"() ({
      %run_scoped3A_168 = tpu.sem_alloc : memref<!tpu.dma_semaphore, #tpu.memory_space<semaphore_mem>>
      tpu.enqueue_dma source(%arg6 : memref<10016xf32, #tpu.memory_space<hbm>>) target(%arg15 : memref<10016xf32, #tpu.memory_space<vmem>>) target_semaphore(%run_scoped3A_168 : memref<!tpu.dma_semaphore, #tpu.memory_space<semaphore_mem>>)
      tpu.wait_dma2 semaphore(%run_scoped3A_168 : memref<!tpu.dma_semaphore, #tpu.memory_space<semaphore_mem>>) src(%arg6 : memref<10016xf32, #tpu.memory_space<hbm>>) dst(%arg15 : memref<10016xf32, #tpu.memory_space<vmem>>)
      tpu.yield
    }) : () -> ()
    "tpu.region"() ({
      %run_scoped3A_168 = tpu.sem_alloc : memref<!tpu.dma_semaphore, #tpu.memory_space<semaphore_mem>>
      tpu.enqueue_dma source(%arg7 : memref<10016xf32, #tpu.memory_space<hbm>>) target(%arg16 : memref<10016xf32, #tpu.memory_space<vmem>>) target_semaphore(%run_scoped3A_168 : memref<!tpu.dma_semaphore, #tpu.memory_space<semaphore_mem>>)
      tpu.wait_dma2 semaphore(%run_scoped3A_168 : memref<!tpu.dma_semaphore, #tpu.memory_space<semaphore_mem>>) src(%arg7 : memref<10016xf32, #tpu.memory_space<hbm>>) dst(%arg16 : memref<10016xf32, #tpu.memory_space<vmem>>)
      tpu.yield
    }) : () -> ()
    %mul3A_63 = arith.constant 256 : i32
    %mul3A_64 = arith.muli %add3A, %mul3A_63 : i32
    %multiple_of3A_65 = tpu.assume_multiple %mul3A_64, 256 : i32
    "tpu.region"() ({
      %run_scoped3A_168 = tpu.sem_alloc : memref<!tpu.dma_semaphore, #tpu.memory_space<semaphore_mem>>
      %dma_start3A = tpu.memref_slice %arg5[%multiple_of3A_65] : memref<8192xi32, #tpu.memory_space<hbm>> -> memref<256xi32, #tpu.memory_space<hbm>>
      %dma_start3A_169 = tpu.memref_slice %arg5[%multiple_of3A_65] : memref<8192xi32, #tpu.memory_space<hbm>> -> memref<256xi32, #tpu.memory_space<hbm>>
      tpu.enqueue_dma source(%dma_start3A_169 : memref<256xi32, #tpu.memory_space<hbm>>) target(%arg17 : memref<256xi32, #tpu.memory_space<vmem>>) target_semaphore(%run_scoped3A_168 : memref<!tpu.dma_semaphore, #tpu.memory_space<semaphore_mem>>)
      %dma_wait3A = tpu.memref_slice %arg5[%multiple_of3A_65] : memref<8192xi32, #tpu.memory_space<hbm>> -> memref<256xi32, #tpu.memory_space<hbm>>
      %dma_wait3A_170 = tpu.memref_slice %arg5[%multiple_of3A_65] : memref<8192xi32, #tpu.memory_space<hbm>> -> memref<256xi32, #tpu.memory_space<hbm>>
      tpu.wait_dma2 semaphore(%run_scoped3A_168 : memref<!tpu.dma_semaphore, #tpu.memory_space<semaphore_mem>>) src(%dma_wait3A_170 : memref<256xi32, #tpu.memory_space<hbm>>) dst(%arg17 : memref<256xi32, #tpu.memory_space<vmem>>)
      tpu.yield
    }) : () -> ()
    %broadcast_in_dim3A = arith.constant 0.000000e+00 : f32
    %broadcast_in_dim3A_66 = vector.broadcast %broadcast_in_dim3A : f32 to vector<16xf32>
    %broadcast_in_dim3A_67 = arith.constant 0.000000e+00 : f32
    %broadcast_in_dim3A_68 = vector.broadcast %broadcast_in_dim3A_67 : f32 to vector<16xf32>
    %get3A = arith.constant 0 : index
    %get3A_69 = tpu.vector_load %arg17[%get3A] {strides = array<i32>} : memref<256xi32, #tpu.memory_space<vmem>>, vector<16xi32>,
    %gather3A = tpu.vector_load_idx %arg15[%get3A_69] : memref<10016xf32, #tpu.memory_space<vmem>>[vector<16xi32>], vector<16xf32>,
    %add3A_70 = arith.addf %broadcast_in_dim3A_66, %gather3A : vector<16xf32>
    %gather3A_71 = tpu.vector_load_idx %arg16[%get3A_69] : memref<10016xf32, #tpu.memory_space<vmem>>[vector<16xi32>], vector<16xf32>,
    %add3A_72 = arith.addf %broadcast_in_dim3A_68, %gather3A_71 : vector<16xf32>
    %get3A_73 = arith.constant 16 : index
    %get3A_74 = tpu.vector_load %arg17[%get3A_73] {strides = array<i32>} : memref<256xi32, #tpu.memory_space<vmem>>, vector<16xi32>,
    %gather3A_75 = tpu.vector_load_idx %arg15[%get3A_74] : memref<10016xf32, #tpu.memory_space<vmem>>[vector<16xi32>], vector<16xf32>,
    %add3A_76 = arith.addf %add3A_70, %gather3A_75 : vector<16xf32>
    %gather3A_77 = tpu.vector_load_idx %arg16[%get3A_74] : memref<10016xf32, #tpu.memory_space<vmem>>[vector<16xi32>], vector<16xf32>,
    %add3A_78 = arith.addf %add3A_72, %gather3A_77 : vector<16xf32>
    %get3A_79 = arith.constant 32 : index
    %get3A_80 = tpu.vector_load %arg17[%get3A_79] {strides = array<i32>} : memref<256xi32, #tpu.memory_space<vmem>>, vector<16xi32>,
    %gather3A_81 = tpu.vector_load_idx %arg15[%get3A_80] : memref<10016xf32, #tpu.memory_space<vmem>>[vector<16xi32>], vector<16xf32>,
    %add3A_82 = arith.addf %add3A_76, %gather3A_81 : vector<16xf32>
    %gather3A_83 = tpu.vector_load_idx %arg16[%get3A_80] : memref<10016xf32, #tpu.memory_space<vmem>>[vector<16xi32>], vector<16xf32>,
    %add3A_84 = arith.addf %add3A_78, %gather3A_83 : vector<16xf32>
    %get3A_85 = arith.constant 48 : index
    %get3A_86 = tpu.vector_load %arg17[%get3A_85] {strides = array<i32>} : memref<256xi32, #tpu.memory_space<vmem>>, vector<16xi32>,
    %gather3A_87 = tpu.vector_load_idx %arg15[%get3A_86] : memref<10016xf32, #tpu.memory_space<vmem>>[vector<16xi32>], vector<16xf32>,
    %add3A_88 = arith.addf %add3A_82, %gather3A_87 : vector<16xf32>
    %gather3A_89 = tpu.vector_load_idx %arg16[%get3A_86] : memref<10016xf32, #tpu.memory_space<vmem>>[vector<16xi32>], vector<16xf32>,
    %add3A_90 = arith.addf %add3A_84, %gather3A_89 : vector<16xf32>
    %get3A_91 = arith.constant 64 : index
    %get3A_92 = tpu.vector_load %arg17[%get3A_91] {strides = array<i32>} : memref<256xi32, #tpu.memory_space<vmem>>, vector<16xi32>,
    %gather3A_93 = tpu.vector_load_idx %arg15[%get3A_92] : memref<10016xf32, #tpu.memory_space<vmem>>[vector<16xi32>], vector<16xf32>,
    %add3A_94 = arith.addf %add3A_88, %gather3A_93 : vector<16xf32>
    %gather3A_95 = tpu.vector_load_idx %arg16[%get3A_92] : memref<10016xf32, #tpu.memory_space<vmem>>[vector<16xi32>], vector<16xf32>,
    %add3A_96 = arith.addf %add3A_90, %gather3A_95 : vector<16xf32>
    %get3A_97 = arith.constant 80 : index
    %get3A_98 = tpu.vector_load %arg17[%get3A_97] {strides = array<i32>} : memref<256xi32, #tpu.memory_space<vmem>>, vector<16xi32>,
    %gather3A_99 = tpu.vector_load_idx %arg15[%get3A_98] : memref<10016xf32, #tpu.memory_space<vmem>>[vector<16xi32>], vector<16xf32>,
    %add3A_100 = arith.addf %add3A_94, %gather3A_99 : vector<16xf32>
    %gather3A_101 = tpu.vector_load_idx %arg16[%get3A_98] : memref<10016xf32, #tpu.memory_space<vmem>>[vector<16xi32>], vector<16xf32>,
    %add3A_102 = arith.addf %add3A_96, %gather3A_101 : vector<16xf32>
    %get3A_103 = arith.constant 96 : index
    %get3A_104 = tpu.vector_load %arg17[%get3A_103] {strides = array<i32>} : memref<256xi32, #tpu.memory_space<vmem>>, vector<16xi32>,
    %gather3A_105 = tpu.vector_load_idx %arg15[%get3A_104] : memref<10016xf32, #tpu.memory_space<vmem>>[vector<16xi32>], vector<16xf32>,
    %add3A_106 = arith.addf %add3A_100, %gather3A_105 : vector<16xf32>
    %gather3A_107 = tpu.vector_load_idx %arg16[%get3A_104] : memref<10016xf32, #tpu.memory_space<vmem>>[vector<16xi32>], vector<16xf32>,
    %add3A_108 = arith.addf %add3A_102, %gather3A_107 : vector<16xf32>
    %get3A_109 = arith.constant 112 : index
    %get3A_110 = tpu.vector_load %arg17[%get3A_109] {strides = array<i32>} : memref<256xi32, #tpu.memory_space<vmem>>, vector<16xi32>,
    %gather3A_111 = tpu.vector_load_idx %arg15[%get3A_110] : memref<10016xf32, #tpu.memory_space<vmem>>[vector<16xi32>], vector<16xf32>,
    %add3A_112 = arith.addf %add3A_106, %gather3A_111 : vector<16xf32>
    %gather3A_113 = tpu.vector_load_idx %arg16[%get3A_110] : memref<10016xf32, #tpu.memory_space<vmem>>[vector<16xi32>], vector<16xf32>,
    %add3A_114 = arith.addf %add3A_108, %gather3A_113 : vector<16xf32>
    %get3A_115 = arith.constant 128 : index
    %get3A_116 = tpu.vector_load %arg17[%get3A_115] {strides = array<i32>} : memref<256xi32, #tpu.memory_space<vmem>>, vector<16xi32>,
    %gather3A_117 = tpu.vector_load_idx %arg15[%get3A_116] : memref<10016xf32, #tpu.memory_space<vmem>>[vector<16xi32>], vector<16xf32>,
    %add3A_118 = arith.addf %add3A_112, %gather3A_117 : vector<16xf32>
    %gather3A_119 = tpu.vector_load_idx %arg16[%get3A_116] : memref<10016xf32, #tpu.memory_space<vmem>>[vector<16xi32>], vector<16xf32>,
    %add3A_120 = arith.addf %add3A_114, %gather3A_119 : vector<16xf32>
    %get3A_121 = arith.constant 144 : index
    %get3A_122 = tpu.vector_load %arg17[%get3A_121] {strides = array<i32>} : memref<256xi32, #tpu.memory_space<vmem>>, vector<16xi32>,
    %gather3A_123 = tpu.vector_load_idx %arg15[%get3A_122] : memref<10016xf32, #tpu.memory_space<vmem>>[vector<16xi32>], vector<16xf32>,
    %add3A_124 = arith.addf %add3A_118, %gather3A_123 : vector<16xf32>
    %gather3A_125 = tpu.vector_load_idx %arg16[%get3A_122] : memref<10016xf32, #tpu.memory_space<vmem>>[vector<16xi32>], vector<16xf32>,
    %add3A_126 = arith.addf %add3A_120, %gather3A_125 : vector<16xf32>
    %get3A_127 = arith.constant 160 : index
    %get3A_128 = tpu.vector_load %arg17[%get3A_127] {strides = array<i32>} : memref<256xi32, #tpu.memory_space<vmem>>, vector<16xi32>,
    %gather3A_129 = tpu.vector_load_idx %arg15[%get3A_128] : memref<10016xf32, #tpu.memory_space<vmem>>[vector<16xi32>], vector<16xf32>,
    %add3A_130 = arith.addf %add3A_124, %gather3A_129 : vector<16xf32>
    %gather3A_131 = tpu.vector_load_idx %arg16[%get3A_128] : memref<10016xf32, #tpu.memory_space<vmem>>[vector<16xi32>], vector<16xf32>,
    %add3A_132 = arith.addf %add3A_126, %gather3A_131 : vector<16xf32>
    %get3A_133 = arith.constant 176 : index
    %get3A_134 = tpu.vector_load %arg17[%get3A_133] {strides = array<i32>} : memref<256xi32, #tpu.memory_space<vmem>>, vector<16xi32>,
    %gather3A_135 = tpu.vector_load_idx %arg15[%get3A_134] : memref<10016xf32, #tpu.memory_space<vmem>>[vector<16xi32>], vector<16xf32>,
    %add3A_136 = arith.addf %add3A_130, %gather3A_135 : vector<16xf32>
    %gather3A_137 = tpu.vector_load_idx %arg16[%get3A_134] : memref<10016xf32, #tpu.memory_space<vmem>>[vector<16xi32>], vector<16xf32>,
    %add3A_138 = arith.addf %add3A_132, %gather3A_137 : vector<16xf32>
    %get3A_139 = arith.constant 192 : index
    %get3A_140 = tpu.vector_load %arg17[%get3A_139] {strides = array<i32>} : memref<256xi32, #tpu.memory_space<vmem>>, vector<16xi32>,
    %gather3A_141 = tpu.vector_load_idx %arg15[%get3A_140] : memref<10016xf32, #tpu.memory_space<vmem>>[vector<16xi32>], vector<16xf32>,
    %add3A_142 = arith.addf %add3A_136, %gather3A_141 : vector<16xf32>
    %gather3A_143 = tpu.vector_load_idx %arg16[%get3A_140] : memref<10016xf32, #tpu.memory_space<vmem>>[vector<16xi32>], vector<16xf32>,
    %add3A_144 = arith.addf %add3A_138, %gather3A_143 : vector<16xf32>
    %get3A_145 = arith.constant 208 : index
    %get3A_146 = tpu.vector_load %arg17[%get3A_145] {strides = array<i32>} : memref<256xi32, #tpu.memory_space<vmem>>, vector<16xi32>,
    %gather3A_147 = tpu.vector_load_idx %arg15[%get3A_146] : memref<10016xf32, #tpu.memory_space<vmem>>[vector<16xi32>], vector<16xf32>,
    %add3A_148 = arith.addf %add3A_142, %gather3A_147 : vector<16xf32>
    %gather3A_149 = tpu.vector_load_idx %arg16[%get3A_146] : memref<10016xf32, #tpu.memory_space<vmem>>[vector<16xi32>], vector<16xf32>,
    %add3A_150 = arith.addf %add3A_144, %gather3A_149 : vector<16xf32>
    %get3A_151 = arith.constant 224 : index
    %get3A_152 = tpu.vector_load %arg17[%get3A_151] {strides = array<i32>} : memref<256xi32, #tpu.memory_space<vmem>>, vector<16xi32>,
    %gather3A_153 = tpu.vector_load_idx %arg15[%get3A_152] : memref<10016xf32, #tpu.memory_space<vmem>>[vector<16xi32>], vector<16xf32>,
    %add3A_154 = arith.addf %add3A_148, %gather3A_153 : vector<16xf32>
    %gather3A_155 = tpu.vector_load_idx %arg16[%get3A_152] : memref<10016xf32, #tpu.memory_space<vmem>>[vector<16xi32>], vector<16xf32>,
    %add3A_156 = arith.addf %add3A_150, %gather3A_155 : vector<16xf32>
    %get3A_157 = arith.constant 240 : index
    %get3A_158 = tpu.vector_load %arg17[%get3A_157] {strides = array<i32>} : memref<256xi32, #tpu.memory_space<vmem>>, vector<16xi32>,
    %gather3A_159 = tpu.vector_load_idx %arg15[%get3A_158] : memref<10016xf32, #tpu.memory_space<vmem>>[vector<16xi32>], vector<16xf32>,
    %add3A_160 = arith.addf %add3A_154, %gather3A_159 : vector<16xf32>
    %gather3A_161 = tpu.vector_load_idx %arg16[%get3A_158] : memref<10016xf32, #tpu.memory_space<vmem>>[vector<16xi32>], vector<16xf32>,
    %add3A_162 = arith.addf %add3A_156, %gather3A_161 : vector<16xf32>
    %swap3A = arith.constant 0 : index
    %swap3A_163 = tpu.vector_load %arg18[%swap3A] {strides = array<i32>} : memref<16xf32, #tpu.memory_space<vmem>>, vector<16xf32>,
    tpu.vector_store %arg18[%swap3A], %add3A_160 {strides = array<i32>} : memref<16xf32, #tpu.memory_space<vmem>>, vector<16xf32>,
    %swap3A_164 = arith.constant 0 : index
    %swap3A_165 = tpu.vector_load %arg19[%swap3A_164] {strides = array<i32>} : memref<16xf32, #tpu.memory_space<vmem>>, vector<16xf32>,
    tpu.vector_store %arg19[%swap3A_164], %add3A_162 {strides = array<i32>} : memref<16xf32, #tpu.memory_space<vmem>>, vector<16xf32>,
    %run_scoped3A_166 = arith.constant 0 : i32
    "tpu.region"() ({
      %run_scoped3A_168 = tpu.sem_alloc : memref<!tpu.dma_semaphore, #tpu.memory_space<semaphore_mem>>
      %dma_start3A = arith.constant 0 : i32
      %dma_start3A_169 = tpu.memref_slice %arg9[%add3A, %run_scoped3A_166, %dma_start3A] : memref<32x1x16xf32, #tpu.memory_space<hbm>> -> memref<1x1x16xf32, #tpu.memory_space<hbm>>
      %dma_start3A_170 = tpu.memref_squeeze %dma_start3A_169 : memref<1x1x16xf32, #tpu.memory_space<hbm>> -> memref<16xf32, #tpu.memory_space<hbm>>
      %dma_start3A_171 = arith.constant 0 : i32
      %dma_start3A_172 = tpu.memref_slice %arg9[%add3A, %run_scoped3A_166, %dma_start3A_171] : memref<32x1x16xf32, #tpu.memory_space<hbm>> -> memref<1x1x16xf32, #tpu.memory_space<hbm>>
      %dma_start3A_173 = tpu.memref_squeeze %dma_start3A_172 : memref<1x1x16xf32, #tpu.memory_space<hbm>> -> memref<16xf32, #tpu.memory_space<hbm>>
      tpu.enqueue_dma source(%arg18 : memref<16xf32, #tpu.memory_space<vmem>>) target(%dma_start3A_173 : memref<16xf32, #tpu.memory_space<hbm>>) target_semaphore(%run_scoped3A_168 : memref<!tpu.dma_semaphore, #tpu.memory_space<semaphore_mem>>)
      %dma_wait3A = arith.constant 0 : i32
      %dma_wait3A_174 = tpu.memref_slice %arg9[%add3A, %run_scoped3A_166, %dma_wait3A] : memref<32x1x16xf32, #tpu.memory_space<hbm>> -> memref<1x1x16xf32, #tpu.memory_space<hbm>>
      %dma_wait3A_175 = tpu.memref_squeeze %dma_wait3A_174 : memref<1x1x16xf32, #tpu.memory_space<hbm>> -> memref<16xf32, #tpu.memory_space<hbm>>
      %dma_wait3A_176 = arith.constant 0 : i32
      %dma_wait3A_177 = tpu.memref_slice %arg9[%add3A, %run_scoped3A_166, %dma_wait3A_176] : memref<32x1x16xf32, #tpu.memory_space<hbm>> -> memref<1x1x16xf32, #tpu.memory_space<hbm>>
      %dma_wait3A_178 = tpu.memref_squeeze %dma_wait3A_177 : memref<1x1x16xf32, #tpu.memory_space<hbm>> -> memref<16xf32, #tpu.memory_space<hbm>>
      tpu.wait_dma2 semaphore(%run_scoped3A_168 : memref<!tpu.dma_semaphore, #tpu.memory_space<semaphore_mem>>) src(%arg18 : memref<16xf32, #tpu.memory_space<vmem>>) dst(%dma_wait3A_178 : memref<16xf32, #tpu.memory_space<hbm>>)
      tpu.yield
    }) : () -> ()
    %run_scoped3A_167 = arith.constant 0 : i32
    "tpu.region"() ({
      %run_scoped3A_168 = tpu.sem_alloc : memref<!tpu.dma_semaphore, #tpu.memory_space<semaphore_mem>>
      %dma_start3A = arith.constant 0 : i32
      %dma_start3A_169 = tpu.memref_slice %arg10[%add3A, %run_scoped3A_167, %dma_start3A] : memref<32x1x16xf32, #tpu.memory_space<hbm>> -> memref<1x1x16xf32, #tpu.memory_space<hbm>>
      %dma_start3A_170 = tpu.memref_squeeze %dma_start3A_169 : memref<1x1x16xf32, #tpu.memory_space<hbm>> -> memref<16xf32, #tpu.memory_space<hbm>>
      %dma_start3A_171 = arith.constant 0 : i32
      %dma_start3A_172 = tpu.memref_slice %arg10[%add3A, %run_scoped3A_167, %dma_start3A_171] : memref<32x1x16xf32, #tpu.memory_space<hbm>> -> memref<1x1x16xf32, #tpu.memory_space<hbm>>
      %dma_start3A_173 = tpu.memref_squeeze %dma_start3A_172 : memref<1x1x16xf32, #tpu.memory_space<hbm>> -> memref<16xf32, #tpu.memory_space<hbm>>
      tpu.enqueue_dma source(%arg19 : memref<16xf32, #tpu.memory_space<vmem>>) target(%dma_start3A_173 : memref<16xf32, #tpu.memory_space<hbm>>) target_semaphore(%run_scoped3A_168 : memref<!tpu.dma_semaphore, #tpu.memory_space<semaphore_mem>>)
      %dma_wait3A = arith.constant 0 : i32
      %dma_wait3A_174 = tpu.memref_slice %arg10[%add3A, %run_scoped3A_167, %dma_wait3A] : memref<32x1x16xf32, #tpu.memory_space<hbm>> -> memref<1x1x16xf32, #tpu.memory_space<hbm>>
      %dma_wait3A_175 = tpu.memref_squeeze %dma_wait3A_174 : memref<1x1x16xf32, #tpu.memory_space<hbm>> -> memref<16xf32, #tpu.memory_space<hbm>>
      %dma_wait3A_176 = arith.constant 0 : i32
      %dma_wait3A_177 = tpu.memref_slice %arg10[%add3A, %run_scoped3A_167, %dma_wait3A_176] : memref<32x1x16xf32, #tpu.memory_space<hbm>> -> memref<1x1x16xf32, #tpu.memory_space<hbm>>
      %dma_wait3A_178 = tpu.memref_squeeze %dma_wait3A_177 : memref<1x1x16xf32, #tpu.memory_space<hbm>> -> memref<16xf32, #tpu.memory_space<hbm>>
      tpu.wait_dma2 semaphore(%run_scoped3A_168 : memref<!tpu.dma_semaphore, #tpu.memory_space<semaphore_mem>>) src(%arg19 : memref<16xf32, #tpu.memory_space<vmem>>) dst(%dma_wait3A_178 : memref<16xf32, #tpu.memory_space<hbm>>)
      tpu.yield
    }) : () -> ()
    return
  }
}

module attributes {stable_mosaic.version = 14 : i64} {
  func.func @_attn_body(%arg0: i32, %arg1: i32, %arg2: memref<1x10x8x10000xf32, #tpu.memory_space<vmem>>, %arg3: memref<1x10x8x10000xf32, #tpu.memory_space<vmem>>, %arg4: memref<1x10x8x10000xf32, #tpu.memory_space<vmem>>, %arg5: memref<1x10x8x10000xf32, #tpu.memory_space<vmem>>, %arg6: memref<1x10x8x10000xf32, #tpu.memory_space<vmem>>, %arg7: memref<1x1x64xf32, #tpu.memory_space<vmem>>, %arg8: memref<64x10000xf32, #tpu.memory_space<vmem>>, %arg9: memref<10000x65xbf16, #tpu.memory_space<vmem>>, %arg10: memref<1x400x64xf32, #tpu.memory_space<vmem>>) attributes {dimension_semantics = [#tpu.dimension_semantics<arbitrary>, #tpu.dimension_semantics<arbitrary>], iteration_bounds = array<i64: 2, 25>, scalar_prefetch = 0 : i64, scratch_operands = 0 : i64, tpu.core_type = #tpu.core_type<tc>, window_params = [{transform_indices = @transform_0, window_bounds = array<i64: 1, 10, 8, 10000>}, {transform_indices = @transform_1, window_bounds = array<i64: 1, 10, 8, 10000>}, {transform_indices = @transform_2, window_bounds = array<i64: 1, 10, 8, 10000>}, {transform_indices = @transform_3, window_bounds = array<i64: 1, 10, 8, 10000>}, {transform_indices = @transform_4, window_bounds = array<i64: 1, 10, 8, 10000>}, {transform_indices = @transform_5, window_bounds = array<i64: 1, 1, 64>}, {pipeline_mode = #tpu.pipeline_mode<synchronous>, transform_indices = @transform_6, window_bounds = array<i64: 64, 10000>}, {pipeline_mode = #tpu.pipeline_mode<synchronous>, transform_indices = @transform_7, window_bounds = array<i64: 10000, 65>}, {transform_indices = @transform_8, window_bounds = array<i64: 1, 400, 64>}]} {
    %get3A = arith.constant 0 : index
    %get3A_0 = arith.constant 0 : index
    %get3A_1 = arith.constant 0 : index
    %get3A_2 = vector.load %arg7[%get3A, %get3A_0, %get3A_1] : memref<1x1x64xf32, #tpu.memory_space<vmem>>, vector<1x1x64xf32>
    %get3A_3 = vector.shape_cast %get3A_2 : vector<1x1x64xf32> to vector<1x64xf32>
    %mul3A = arith.constant 1.44269502 : f32
    %mul3A_4 = vector.broadcast %mul3A : f32 to vector<1x64xf32>
    %mul3A_5 = arith.mulf %get3A_3, %mul3A_4 : vector<1x64xf32>
    %get3A_6 = arith.constant 0 : index
    %get3A_7 = arith.constant 0 : index
    %get3A_8 = vector.load %arg8[%get3A_6, %get3A_7] : memref<64x10000xf32, #tpu.memory_space<vmem>>, vector<64x10000xf32>
    %dot_general3A = arith.constant dense<0.000000e+00> : vector<1x10000xf32>
    %dot_general3A_9 = tpu.matmul %mul3A_5, %get3A_8, %dot_general3A {dimension_numbers = #tpu.dot_dimension_numbers<[1], [0], [0], [1], [0, 0, 1, 1], [], []>, transpose_lhs_hint = false} : vector<1x64xf32>, vector<64x10000xf32>, vector<1x10000xf32> -> vector<1x10000xf32>
    %get3A_10 = arith.constant 0 : index
    %get3A_11 = arith.constant 0 : index
    %get3A_12 = vector.load %arg9[%get3A_10, %get3A_11] : memref<10000x65xbf16, #tpu.memory_space<vmem>>, vector<10000x65xbf16>
    %get3A_13 = arith.constant 0 : index
    %get3A_14 = arith.constant 0 : index
    %get3A_15 = arith.constant 0 : index
    %get3A_16 = arith.constant 0 : index
    %get3A_17 = vector.load %arg2[%get3A_13, %get3A_14, %get3A_15, %get3A_16] : memref<1x10x8x10000xf32, #tpu.memory_space<vmem>>, vector<1x10x8x10000xf32>
    %get3A_18 = vector.shape_cast %get3A_17 : vector<1x10x8x10000xf32> to vector<10x8x10000xf32>
    %reshape3A = vector.shape_cast %get3A_18 : vector<10x8x10000xf32> to vector<80x10000xf32>
    %mul3A_19 = vector.broadcast %dot_general3A_9 : vector<1x10000xf32> to vector<80x10000xf32>
    %mul3A_20 = arith.mulf %reshape3A, %mul3A_19 : vector<80x10000xf32>
    %exp23A = math.exp2 %mul3A_20 : vector<80x10000xf32>
    %gt3A = arith.constant 0.000000e+00 : f32
    %gt3A_21 = vector.broadcast %gt3A : f32 to vector<80x10000xf32>
    %gt3A_22 = arith.cmpf ogt, %reshape3A, %gt3A_21 : vector<80x10000xf32>
    %jit3A = arith.constant 0.000000e+00 : f32
    %broadcast_in_dim3A = vector.broadcast %jit3A : f32 to vector<80x10000xf32>
    %select_n3A = arith.select %gt3A_22, %exp23A, %broadcast_in_dim3A : vector<80x10000xi1>, vector<80x10000xf32>
    %convert_element_type3A = arith.truncf %select_n3A : vector<80x10000xf32> to vector<80x10000xbf16>
    %dot_general3A_23 = arith.constant dense<0.000000e+00> : vector<80x65xf32>
    %dot_general3A_24 = tpu.matmul %convert_element_type3A, %get3A_12, %dot_general3A_23 {dimension_numbers = #tpu.dot_dimension_numbers<[1], [0], [0], [1], [0, 0, 1, 1], [], []>, transpose_lhs_hint = false} : vector<80x10000xbf16>, vector<10000x65xbf16>, vector<80x65xf32> -> vector<80x65xf32>
    %slice3A = vector.extract_strided_slice %dot_general3A_24 {offsets = [0, 64], sizes = [80, 1], strides = [1, 1]} : vector<80x65xf32> to vector<80x1xf32>
    %gt3A_25 = arith.constant 0.000000e+00 : f32
    %gt3A_26 = vector.broadcast %gt3A_25 : f32 to vector<80x1xf32>
    %gt3A_27 = arith.cmpf ogt, %slice3A, %gt3A_26 : vector<80x1xf32>
    %div3A = arith.constant 1.000000e+00 : f32
    %div3A_28 = vector.broadcast %div3A : f32 to vector<80x1xf32>
    %div3A_29 = arith.divf %div3A_28, %slice3A : vector<80x1xf32>
    %jit3A_30 = arith.constant 0.000000e+00 : f32
    %broadcast_in_dim3A_31 = vector.broadcast %jit3A_30 : f32 to vector<80x1xf32>
    %select_n3A_32 = arith.select %gt3A_27, %div3A_29, %broadcast_in_dim3A_31 : vector<80x1xi1>, vector<80x1xf32>
    %slice3A_33 = vector.extract_strided_slice %dot_general3A_24 {offsets = [0, 0], sizes = [80, 64], strides = [1, 1]} : vector<80x65xf32> to vector<80x64xf32>
    %mul3A_34 = vector.broadcast %select_n3A_32 : vector<80x1xf32> to vector<80x64xf32>
    %mul3A_35 = arith.mulf %slice3A_33, %mul3A_34 : vector<80x64xf32>
    %swap3A = arith.constant 0 : index
    %swap3A_36 = arith.constant 0 : index
    %swap3A_37 = arith.constant 0 : index
    %swap3A_38 = vector.load %arg10[%swap3A, %swap3A_36, %swap3A_37] : memref<1x400x64xf32, #tpu.memory_space<vmem>>, vector<1x80x64xf32>
    %swap3A_39 = vector.shape_cast %swap3A_38 : vector<1x80x64xf32> to vector<80x64xf32>
    %swap3A_40 = vector.shape_cast %mul3A_35 : vector<80x64xf32> to vector<1x80x64xf32>
    tpu.vector_store %arg10[%swap3A, %swap3A_36, %swap3A_37], %swap3A_40 {strides = array<i32>} : memref<1x400x64xf32, #tpu.memory_space<vmem>>, vector<1x80x64xf32>,
    %get3A_41 = arith.constant 0 : index
    %get3A_42 = arith.constant 0 : index
    %get3A_43 = arith.constant 0 : index
    %get3A_44 = arith.constant 0 : index
    %get3A_45 = vector.load %arg3[%get3A_41, %get3A_42, %get3A_43, %get3A_44] : memref<1x10x8x10000xf32, #tpu.memory_space<vmem>>, vector<1x10x8x10000xf32>
    %get3A_46 = vector.shape_cast %get3A_45 : vector<1x10x8x10000xf32> to vector<10x8x10000xf32>
    %reshape3A_47 = vector.shape_cast %get3A_46 : vector<10x8x10000xf32> to vector<80x10000xf32>
    %mul3A_48 = vector.broadcast %dot_general3A_9 : vector<1x10000xf32> to vector<80x10000xf32>
    %mul3A_49 = arith.mulf %reshape3A_47, %mul3A_48 : vector<80x10000xf32>
    %exp23A_50 = math.exp2 %mul3A_49 : vector<80x10000xf32>
    %gt3A_51 = arith.constant 0.000000e+00 : f32
    %gt3A_52 = vector.broadcast %gt3A_51 : f32 to vector<80x10000xf32>
    %gt3A_53 = arith.cmpf ogt, %reshape3A_47, %gt3A_52 : vector<80x10000xf32>
    %jit3A_54 = arith.constant 0.000000e+00 : f32
    %broadcast_in_dim3A_55 = vector.broadcast %jit3A_54 : f32 to vector<80x10000xf32>
    %select_n3A_56 = arith.select %gt3A_53, %exp23A_50, %broadcast_in_dim3A_55 : vector<80x10000xi1>, vector<80x10000xf32>
    %convert_element_type3A_57 = arith.truncf %select_n3A_56 : vector<80x10000xf32> to vector<80x10000xbf16>
    %dot_general3A_58 = arith.constant dense<0.000000e+00> : vector<80x65xf32>
    %dot_general3A_59 = tpu.matmul %convert_element_type3A_57, %get3A_12, %dot_general3A_58 {dimension_numbers = #tpu.dot_dimension_numbers<[1], [0], [0], [1], [0, 0, 1, 1], [], []>, transpose_lhs_hint = false} : vector<80x10000xbf16>, vector<10000x65xbf16>, vector<80x65xf32> -> vector<80x65xf32>
    %slice3A_60 = vector.extract_strided_slice %dot_general3A_59 {offsets = [0, 64], sizes = [80, 1], strides = [1, 1]} : vector<80x65xf32> to vector<80x1xf32>
    %gt3A_61 = arith.constant 0.000000e+00 : f32
    %gt3A_62 = vector.broadcast %gt3A_61 : f32 to vector<80x1xf32>
    %gt3A_63 = arith.cmpf ogt, %slice3A_60, %gt3A_62 : vector<80x1xf32>
    %div3A_64 = arith.constant 1.000000e+00 : f32
    %div3A_65 = vector.broadcast %div3A_64 : f32 to vector<80x1xf32>
    %div3A_66 = arith.divf %div3A_65, %slice3A_60 : vector<80x1xf32>
    %jit3A_67 = arith.constant 0.000000e+00 : f32
    %broadcast_in_dim3A_68 = vector.broadcast %jit3A_67 : f32 to vector<80x1xf32>
    %select_n3A_69 = arith.select %gt3A_63, %div3A_66, %broadcast_in_dim3A_68 : vector<80x1xi1>, vector<80x1xf32>
    %slice3A_70 = vector.extract_strided_slice %dot_general3A_59 {offsets = [0, 0], sizes = [80, 64], strides = [1, 1]} : vector<80x65xf32> to vector<80x64xf32>
    %mul3A_71 = vector.broadcast %select_n3A_69 : vector<80x1xf32> to vector<80x64xf32>
    %mul3A_72 = arith.mulf %slice3A_70, %mul3A_71 : vector<80x64xf32>
    %swap3A_73 = arith.constant 0 : index
    %swap3A_74 = arith.constant 80 : index
    %swap3A_75 = arith.constant 0 : index
    %swap3A_76 = vector.load %arg10[%swap3A_73, %swap3A_74, %swap3A_75] : memref<1x400x64xf32, #tpu.memory_space<vmem>>, vector<1x80x64xf32>
    %swap3A_77 = vector.shape_cast %swap3A_76 : vector<1x80x64xf32> to vector<80x64xf32>
    %swap3A_78 = vector.shape_cast %mul3A_72 : vector<80x64xf32> to vector<1x80x64xf32>
    tpu.vector_store %arg10[%swap3A_73, %swap3A_74, %swap3A_75], %swap3A_78 {strides = array<i32>} : memref<1x400x64xf32, #tpu.memory_space<vmem>>, vector<1x80x64xf32>,
    %get3A_79 = arith.constant 0 : index
    %get3A_80 = arith.constant 0 : index
    %get3A_81 = arith.constant 0 : index
    %get3A_82 = arith.constant 0 : index
    %get3A_83 = vector.load %arg4[%get3A_79, %get3A_80, %get3A_81, %get3A_82] : memref<1x10x8x10000xf32, #tpu.memory_space<vmem>>, vector<1x10x8x10000xf32>
    %get3A_84 = vector.shape_cast %get3A_83 : vector<1x10x8x10000xf32> to vector<10x8x10000xf32>
    %reshape3A_85 = vector.shape_cast %get3A_84 : vector<10x8x10000xf32> to vector<80x10000xf32>
    %mul3A_86 = vector.broadcast %dot_general3A_9 : vector<1x10000xf32> to vector<80x10000xf32>
    %mul3A_87 = arith.mulf %reshape3A_85, %mul3A_86 : vector<80x10000xf32>
    %exp23A_88 = math.exp2 %mul3A_87 : vector<80x10000xf32>
    %gt3A_89 = arith.constant 0.000000e+00 : f32
    %gt3A_90 = vector.broadcast %gt3A_89 : f32 to vector<80x10000xf32>
    %gt3A_91 = arith.cmpf ogt, %reshape3A_85, %gt3A_90 : vector<80x10000xf32>
    %jit3A_92 = arith.constant 0.000000e+00 : f32
    %broadcast_in_dim3A_93 = vector.broadcast %jit3A_92 : f32 to vector<80x10000xf32>
    %select_n3A_94 = arith.select %gt3A_91, %exp23A_88, %broadcast_in_dim3A_93 : vector<80x10000xi1>, vector<80x10000xf32>
    %convert_element_type3A_95 = arith.truncf %select_n3A_94 : vector<80x10000xf32> to vector<80x10000xbf16>
    %dot_general3A_96 = arith.constant dense<0.000000e+00> : vector<80x65xf32>
    %dot_general3A_97 = tpu.matmul %convert_element_type3A_95, %get3A_12, %dot_general3A_96 {dimension_numbers = #tpu.dot_dimension_numbers<[1], [0], [0], [1], [0, 0, 1, 1], [], []>, transpose_lhs_hint = false} : vector<80x10000xbf16>, vector<10000x65xbf16>, vector<80x65xf32> -> vector<80x65xf32>
    %slice3A_98 = vector.extract_strided_slice %dot_general3A_97 {offsets = [0, 64], sizes = [80, 1], strides = [1, 1]} : vector<80x65xf32> to vector<80x1xf32>
    %gt3A_99 = arith.constant 0.000000e+00 : f32
    %gt3A_100 = vector.broadcast %gt3A_99 : f32 to vector<80x1xf32>
    %gt3A_101 = arith.cmpf ogt, %slice3A_98, %gt3A_100 : vector<80x1xf32>
    %div3A_102 = arith.constant 1.000000e+00 : f32
    %div3A_103 = vector.broadcast %div3A_102 : f32 to vector<80x1xf32>
    %div3A_104 = arith.divf %div3A_103, %slice3A_98 : vector<80x1xf32>
    %jit3A_105 = arith.constant 0.000000e+00 : f32
    %broadcast_in_dim3A_106 = vector.broadcast %jit3A_105 : f32 to vector<80x1xf32>
    %select_n3A_107 = arith.select %gt3A_101, %div3A_104, %broadcast_in_dim3A_106 : vector<80x1xi1>, vector<80x1xf32>
    %slice3A_108 = vector.extract_strided_slice %dot_general3A_97 {offsets = [0, 0], sizes = [80, 64], strides = [1, 1]} : vector<80x65xf32> to vector<80x64xf32>
    %mul3A_109 = vector.broadcast %select_n3A_107 : vector<80x1xf32> to vector<80x64xf32>
    %mul3A_110 = arith.mulf %slice3A_108, %mul3A_109 : vector<80x64xf32>
    %swap3A_111 = arith.constant 0 : index
    %swap3A_112 = arith.constant 160 : index
    %swap3A_113 = arith.constant 0 : index
    %swap3A_114 = vector.load %arg10[%swap3A_111, %swap3A_112, %swap3A_113] : memref<1x400x64xf32, #tpu.memory_space<vmem>>, vector<1x80x64xf32>
    %swap3A_115 = vector.shape_cast %swap3A_114 : vector<1x80x64xf32> to vector<80x64xf32>
    %swap3A_116 = vector.shape_cast %mul3A_110 : vector<80x64xf32> to vector<1x80x64xf32>
    tpu.vector_store %arg10[%swap3A_111, %swap3A_112, %swap3A_113], %swap3A_116 {strides = array<i32>} : memref<1x400x64xf32, #tpu.memory_space<vmem>>, vector<1x80x64xf32>,
    %get3A_117 = arith.constant 0 : index
    %get3A_118 = arith.constant 0 : index
    %get3A_119 = arith.constant 0 : index
    %get3A_120 = arith.constant 0 : index
    %get3A_121 = vector.load %arg5[%get3A_117, %get3A_118, %get3A_119, %get3A_120] : memref<1x10x8x10000xf32, #tpu.memory_space<vmem>>, vector<1x10x8x10000xf32>
    %get3A_122 = vector.shape_cast %get3A_121 : vector<1x10x8x10000xf32> to vector<10x8x10000xf32>
    %reshape3A_123 = vector.shape_cast %get3A_122 : vector<10x8x10000xf32> to vector<80x10000xf32>
    %mul3A_124 = vector.broadcast %dot_general3A_9 : vector<1x10000xf32> to vector<80x10000xf32>
    %mul3A_125 = arith.mulf %reshape3A_123, %mul3A_124 : vector<80x10000xf32>
    %exp23A_126 = math.exp2 %mul3A_125 : vector<80x10000xf32>
    %gt3A_127 = arith.constant 0.000000e+00 : f32
    %gt3A_128 = vector.broadcast %gt3A_127 : f32 to vector<80x10000xf32>
    %gt3A_129 = arith.cmpf ogt, %reshape3A_123, %gt3A_128 : vector<80x10000xf32>
    %jit3A_130 = arith.constant 0.000000e+00 : f32
    %broadcast_in_dim3A_131 = vector.broadcast %jit3A_130 : f32 to vector<80x10000xf32>
    %select_n3A_132 = arith.select %gt3A_129, %exp23A_126, %broadcast_in_dim3A_131 : vector<80x10000xi1>, vector<80x10000xf32>
    %convert_element_type3A_133 = arith.truncf %select_n3A_132 : vector<80x10000xf32> to vector<80x10000xbf16>
    %dot_general3A_134 = arith.constant dense<0.000000e+00> : vector<80x65xf32>
    %dot_general3A_135 = tpu.matmul %convert_element_type3A_133, %get3A_12, %dot_general3A_134 {dimension_numbers = #tpu.dot_dimension_numbers<[1], [0], [0], [1], [0, 0, 1, 1], [], []>, transpose_lhs_hint = false} : vector<80x10000xbf16>, vector<10000x65xbf16>, vector<80x65xf32> -> vector<80x65xf32>
    %slice3A_136 = vector.extract_strided_slice %dot_general3A_135 {offsets = [0, 64], sizes = [80, 1], strides = [1, 1]} : vector<80x65xf32> to vector<80x1xf32>
    %gt3A_137 = arith.constant 0.000000e+00 : f32
    %gt3A_138 = vector.broadcast %gt3A_137 : f32 to vector<80x1xf32>
    %gt3A_139 = arith.cmpf ogt, %slice3A_136, %gt3A_138 : vector<80x1xf32>
    %div3A_140 = arith.constant 1.000000e+00 : f32
    %div3A_141 = vector.broadcast %div3A_140 : f32 to vector<80x1xf32>
    %div3A_142 = arith.divf %div3A_141, %slice3A_136 : vector<80x1xf32>
    %jit3A_143 = arith.constant 0.000000e+00 : f32
    %broadcast_in_dim3A_144 = vector.broadcast %jit3A_143 : f32 to vector<80x1xf32>
    %select_n3A_145 = arith.select %gt3A_139, %div3A_142, %broadcast_in_dim3A_144 : vector<80x1xi1>, vector<80x1xf32>
    %slice3A_146 = vector.extract_strided_slice %dot_general3A_135 {offsets = [0, 0], sizes = [80, 64], strides = [1, 1]} : vector<80x65xf32> to vector<80x64xf32>
    %mul3A_147 = vector.broadcast %select_n3A_145 : vector<80x1xf32> to vector<80x64xf32>
    %mul3A_148 = arith.mulf %slice3A_146, %mul3A_147 : vector<80x64xf32>
    %swap3A_149 = arith.constant 0 : index
    %swap3A_150 = arith.constant 240 : index
    %swap3A_151 = arith.constant 0 : index
    %swap3A_152 = vector.load %arg10[%swap3A_149, %swap3A_150, %swap3A_151] : memref<1x400x64xf32, #tpu.memory_space<vmem>>, vector<1x80x64xf32>
    %swap3A_153 = vector.shape_cast %swap3A_152 : vector<1x80x64xf32> to vector<80x64xf32>
    %swap3A_154 = vector.shape_cast %mul3A_148 : vector<80x64xf32> to vector<1x80x64xf32>
    tpu.vector_store %arg10[%swap3A_149, %swap3A_150, %swap3A_151], %swap3A_154 {strides = array<i32>} : memref<1x400x64xf32, #tpu.memory_space<vmem>>, vector<1x80x64xf32>,
    %get3A_155 = arith.constant 0 : index
    %get3A_156 = arith.constant 0 : index
    %get3A_157 = arith.constant 0 : index
    %get3A_158 = arith.constant 0 : index
    %get3A_159 = vector.load %arg6[%get3A_155, %get3A_156, %get3A_157, %get3A_158] : memref<1x10x8x10000xf32, #tpu.memory_space<vmem>>, vector<1x10x8x10000xf32>
    %get3A_160 = vector.shape_cast %get3A_159 : vector<1x10x8x10000xf32> to vector<10x8x10000xf32>
    %reshape3A_161 = vector.shape_cast %get3A_160 : vector<10x8x10000xf32> to vector<80x10000xf32>
    %mul3A_162 = vector.broadcast %dot_general3A_9 : vector<1x10000xf32> to vector<80x10000xf32>
    %mul3A_163 = arith.mulf %reshape3A_161, %mul3A_162 : vector<80x10000xf32>
    %exp23A_164 = math.exp2 %mul3A_163 : vector<80x10000xf32>
    %gt3A_165 = arith.constant 0.000000e+00 : f32
    %gt3A_166 = vector.broadcast %gt3A_165 : f32 to vector<80x10000xf32>
    %gt3A_167 = arith.cmpf ogt, %reshape3A_161, %gt3A_166 : vector<80x10000xf32>
    %jit3A_168 = arith.constant 0.000000e+00 : f32
    %broadcast_in_dim3A_169 = vector.broadcast %jit3A_168 : f32 to vector<80x10000xf32>
    %select_n3A_170 = arith.select %gt3A_167, %exp23A_164, %broadcast_in_dim3A_169 : vector<80x10000xi1>, vector<80x10000xf32>
    %convert_element_type3A_171 = arith.truncf %select_n3A_170 : vector<80x10000xf32> to vector<80x10000xbf16>
    %dot_general3A_172 = arith.constant dense<0.000000e+00> : vector<80x65xf32>
    %dot_general3A_173 = tpu.matmul %convert_element_type3A_171, %get3A_12, %dot_general3A_172 {dimension_numbers = #tpu.dot_dimension_numbers<[1], [0], [0], [1], [0, 0, 1, 1], [], []>, transpose_lhs_hint = false} : vector<80x10000xbf16>, vector<10000x65xbf16>, vector<80x65xf32> -> vector<80x65xf32>
    %slice3A_174 = vector.extract_strided_slice %dot_general3A_173 {offsets = [0, 64], sizes = [80, 1], strides = [1, 1]} : vector<80x65xf32> to vector<80x1xf32>
    %gt3A_175 = arith.constant 0.000000e+00 : f32
    %gt3A_176 = vector.broadcast %gt3A_175 : f32 to vector<80x1xf32>
    %gt3A_177 = arith.cmpf ogt, %slice3A_174, %gt3A_176 : vector<80x1xf32>
    %div3A_178 = arith.constant 1.000000e+00 : f32
    %div3A_179 = vector.broadcast %div3A_178 : f32 to vector<80x1xf32>
    %div3A_180 = arith.divf %div3A_179, %slice3A_174 : vector<80x1xf32>
    %jit3A_181 = arith.constant 0.000000e+00 : f32
    %broadcast_in_dim3A_182 = vector.broadcast %jit3A_181 : f32 to vector<80x1xf32>
    %select_n3A_183 = arith.select %gt3A_177, %div3A_180, %broadcast_in_dim3A_182 : vector<80x1xi1>, vector<80x1xf32>
    %slice3A_184 = vector.extract_strided_slice %dot_general3A_173 {offsets = [0, 0], sizes = [80, 64], strides = [1, 1]} : vector<80x65xf32> to vector<80x64xf32>
    %mul3A_185 = vector.broadcast %select_n3A_183 : vector<80x1xf32> to vector<80x64xf32>
    %mul3A_186 = arith.mulf %slice3A_184, %mul3A_185 : vector<80x64xf32>
    %swap3A_187 = arith.constant 0 : index
    %swap3A_188 = arith.constant 320 : index
    %swap3A_189 = arith.constant 0 : index
    %swap3A_190 = vector.load %arg10[%swap3A_187, %swap3A_188, %swap3A_189] : memref<1x400x64xf32, #tpu.memory_space<vmem>>, vector<1x80x64xf32>
    %swap3A_191 = vector.shape_cast %swap3A_190 : vector<1x80x64xf32> to vector<80x64xf32>
    %swap3A_192 = vector.shape_cast %mul3A_186 : vector<80x64xf32> to vector<1x80x64xf32>
    tpu.vector_store %arg10[%swap3A_187, %swap3A_188, %swap3A_189], %swap3A_192 {strides = array<i32>} : memref<1x400x64xf32, #tpu.memory_space<vmem>>, vector<1x80x64xf32>,
    return
  }
  func.func @transform_0(%arg0: i32, %arg1: i32) -> (i32, i32, i32, i32) {
    %mul3A = arith.constant 5 : i32
    %mul3A_0 = arith.muli %arg1, %mul3A : i32
    %add3A = arith.constant 0 : i32
    %add3A_1 = arith.addi %mul3A_0, %add3A : i32
    %c0_i32 = arith.constant 0 : i32
    %c0_i32_2 = arith.constant 0 : i32
    %c0_i32_3 = arith.constant 0 : i32
    return %arg0, %add3A_1, %c0_i32, %c0_i32_2 : i32, i32, i32, i32
  }
  func.func @transform_1(%arg0: i32, %arg1: i32) -> (i32, i32, i32, i32) {
    %mul3A = arith.constant 5 : i32
    %mul3A_0 = arith.muli %arg1, %mul3A : i32
    %add3A = arith.constant 1 : i32
    %add3A_1 = arith.addi %mul3A_0, %add3A : i32
    %c0_i32 = arith.constant 0 : i32
    %c0_i32_2 = arith.constant 0 : i32
    %c0_i32_3 = arith.constant 0 : i32
    return %arg0, %add3A_1, %c0_i32, %c0_i32_2 : i32, i32, i32, i32
  }
  func.func @transform_2(%arg0: i32, %arg1: i32) -> (i32, i32, i32, i32) {
    %mul3A = arith.constant 5 : i32
    %mul3A_0 = arith.muli %arg1, %mul3A : i32
    %add3A = arith.constant 2 : i32
    %add3A_1 = arith.addi %mul3A_0, %add3A : i32
    %c0_i32 = arith.constant 0 : i32
    %c0_i32_2 = arith.constant 0 : i32
    %c0_i32_3 = arith.constant 0 : i32
    return %arg0, %add3A_1, %c0_i32, %c0_i32_2 : i32, i32, i32, i32
  }
  func.func @transform_3(%arg0: i32, %arg1: i32) -> (i32, i32, i32, i32) {
    %mul3A = arith.constant 5 : i32
    %mul3A_0 = arith.muli %arg1, %mul3A : i32
    %add3A = arith.constant 3 : i32
    %add3A_1 = arith.addi %mul3A_0, %add3A : i32
    %c0_i32 = arith.constant 0 : i32
    %c0_i32_2 = arith.constant 0 : i32
    %c0_i32_3 = arith.constant 0 : i32
    return %arg0, %add3A_1, %c0_i32, %c0_i32_2 : i32, i32, i32, i32
  }
  func.func @transform_4(%arg0: i32, %arg1: i32) -> (i32, i32, i32, i32) {
    %mul3A = arith.constant 5 : i32
    %mul3A_0 = arith.muli %arg1, %mul3A : i32
    %add3A = arith.constant 4 : i32
    %add3A_1 = arith.addi %mul3A_0, %add3A : i32
    %c0_i32 = arith.constant 0 : i32
    %c0_i32_2 = arith.constant 0 : i32
    %c0_i32_3 = arith.constant 0 : i32
    return %arg0, %add3A_1, %c0_i32, %c0_i32_2 : i32, i32, i32, i32
  }
  func.func @transform_5(%arg0: i32, %arg1: i32) -> (i32, i32, i32) {
    %c0_i32 = arith.constant 0 : i32
    %c0_i32_0 = arith.constant 0 : i32
    %c0_i32_1 = arith.constant 0 : i32
    return %arg0, %c0_i32, %c0_i32_0 : i32, i32, i32
  }
  func.func @transform_6(%arg0: i32, %arg1: i32) -> (i32, i32) {
    %c0_i32 = arith.constant 0 : i32
    %c0_i32_0 = arith.constant 0 : i32
    %c0_i32_1 = arith.constant 0 : i32
    return %c0_i32, %c0_i32_0 : i32, i32
  }
  func.func @transform_7(%arg0: i32, %arg1: i32) -> (i32, i32) {
    %c0_i32 = arith.constant 0 : i32
    %c0_i32_0 = arith.constant 0 : i32
    %c0_i32_1 = arith.constant 0 : i32
    return %c0_i32, %c0_i32_0 : i32, i32
  }
  func.func @transform_8(%arg0: i32, %arg1: i32) -> (i32, i32, i32) {
    %c0_i32 = arith.constant 0 : i32
    %c0_i32_0 = arith.constant 0 : i32
    return %arg0, %arg1, %c0_i32 : i32, i32, i32
  }
}

module attributes {stable_mosaic.version = 14 : i64} {
  func.func @_dense_body(%arg0: memref<2x10000x64xf32, #tpu.memory_space<vmem>>, %arg1: memref<1x2xf32, #tpu.memory_space<vmem>>, %arg2: memref<128x64xf32, #tpu.memory_space<vmem>>, %arg3: memref<1x64xf32, #tpu.memory_space<vmem>>, %arg4: memref<64x32xf32, #tpu.memory_space<vmem>>, %arg5: memref<1x32xf32, #tpu.memory_space<vmem>>, %arg6: memref<32x32xf32, #tpu.memory_space<vmem>>, %arg7: memref<1x32xf32, #tpu.memory_space<vmem>>, %arg8: memref<32x2xf32, #tpu.memory_space<vmem>>, %arg9: memref<10000x2xf32, #tpu.memory_space<vmem>>, %arg10: memref<32x10016xf32, #tpu.memory_space<vmem>>, %arg11: memref<10016xf32, #tpu.memory_space<vmem>>, %arg12: memref<10016xf32, #tpu.memory_space<vmem>>) attributes {dimension_semantics = [], scalar_prefetch = 0 : i64, scratch_operands = 0 : i64, tpu.core_type = #tpu.core_type<tc>} {
    %get3A = arith.constant 0 : index
    %get3A_0 = arith.constant 0 : index
    %get3A_1 = arith.constant 0 : index
    %get3A_2 = vector.load %arg0[%get3A, %get3A_0, %get3A_1] : memref<2x10000x64xf32, #tpu.memory_space<vmem>>, vector<1x10000x64xf32>
    %get3A_3 = vector.shape_cast %get3A_2 : vector<1x10000x64xf32> to vector<10000x64xf32>
    %get3A_4 = arith.constant 1 : index
    %get3A_5 = arith.constant 0 : index
    %get3A_6 = arith.constant 0 : index
    %get3A_7 = vector.load %arg0[%get3A_4, %get3A_5, %get3A_6] : memref<2x10000x64xf32, #tpu.memory_space<vmem>>, vector<1x10000x64xf32>
    %get3A_8 = vector.shape_cast %get3A_7 : vector<1x10000x64xf32> to vector<10000x64xf32>
    %get3A_9 = arith.constant 0 : index
    %get3A_10 = arith.constant 0 : index
    %get3A_11 = vector.load %arg1[%get3A_9, %get3A_10] : memref<1x2xf32, #tpu.memory_space<vmem>>, vector<1x2xf32>
    %reduce_max3A = arith.constant dense<0xFF800000> : vector<1xf32>
    %reduce_max3A_12 = vector.multi_reduction <maximumf>, %get3A_11, %reduce_max3A [1] : vector<1x2xf32> to vector<1xf32>
    %broadcast_in_dim3A = vector.shape_cast %reduce_max3A_12 : vector<1xf32> to vector<1x1xf32>
    %sub3A = vector.broadcast %broadcast_in_dim3A : vector<1x1xf32> to vector<1x2xf32>
    %sub3A_13 = arith.subf %get3A_11, %sub3A : vector<1x2xf32>
    %exp3A = math.exp %sub3A_13 : vector<1x2xf32>
    %reduce_sum3A = arith.constant dense<0.000000e+00> : vector<1xf32>
    %reduce_sum3A_14 = vector.multi_reduction <add>, %exp3A, %reduce_sum3A [1] : vector<1x2xf32> to vector<1xf32>
    %broadcast_in_dim3A_15 = vector.shape_cast %reduce_sum3A_14 : vector<1xf32> to vector<1x1xf32>
    %div3A = vector.broadcast %broadcast_in_dim3A_15 : vector<1x1xf32> to vector<1x2xf32>
    %div3A_16 = arith.divf %exp3A, %div3A : vector<1x2xf32>
    %slice3A = vector.extract_strided_slice %div3A_16 {offsets = [0, 0], sizes = [1, 1], strides = [1, 1]} : vector<1x2xf32> to vector<1x1xf32>
    %slice3A_17 = vector.extract_strided_slice %div3A_16 {offsets = [0, 1], sizes = [1, 1], strides = [1, 1]} : vector<1x2xf32> to vector<1x1xf32>
    %mul3A = vector.broadcast %slice3A : vector<1x1xf32> to vector<10000x64xf32>
    %mul3A_18 = arith.mulf %get3A_3, %mul3A : vector<10000x64xf32>
    %get3A_19 = arith.constant 0 : index
    %get3A_20 = arith.constant 0 : index
    %get3A_21 = vector.load %arg2[%get3A_19, %get3A_20] : memref<128x64xf32, #tpu.memory_space<vmem>>, vector<64x64xf32>
    %dot_general3A = arith.constant dense<0.000000e+00> : vector<10000x64xf32>
    %dot_general3A_22 = tpu.matmul %mul3A_18, %get3A_21, %dot_general3A {dimension_numbers = #tpu.dot_dimension_numbers<[1], [0], [0], [1], [0, 0, 1, 1], [], []>, transpose_lhs_hint = false} : vector<10000x64xf32>, vector<64x64xf32>, vector<10000x64xf32> -> vector<10000x64xf32>
    %mul3A_23 = vector.broadcast %slice3A_17 : vector<1x1xf32> to vector<10000x64xf32>
    %mul3A_24 = arith.mulf %get3A_8, %mul3A_23 : vector<10000x64xf32>
    %get3A_25 = arith.constant 64 : index
    %get3A_26 = arith.constant 0 : index
    %get3A_27 = vector.load %arg2[%get3A_25, %get3A_26] : memref<128x64xf32, #tpu.memory_space<vmem>>, vector<64x64xf32>
    %dot_general3A_28 = arith.constant dense<0.000000e+00> : vector<10000x64xf32>
    %dot_general3A_29 = tpu.matmul %mul3A_24, %get3A_27, %dot_general3A_28 {dimension_numbers = #tpu.dot_dimension_numbers<[1], [0], [0], [1], [0, 0, 1, 1], [], []>, transpose_lhs_hint = false} : vector<10000x64xf32>, vector<64x64xf32>, vector<10000x64xf32> -> vector<10000x64xf32>
    %add3A = arith.addf %dot_general3A_22, %dot_general3A_29 : vector<10000x64xf32>
    %get3A_30 = arith.constant 0 : index
    %get3A_31 = arith.constant 0 : index
    %get3A_32 = vector.load %arg3[%get3A_30, %get3A_31] : memref<1x64xf32, #tpu.memory_space<vmem>>, vector<1x64xf32>
    %add3A_33 = vector.broadcast %get3A_32 : vector<1x64xf32> to vector<10000x64xf32>
    %add3A_34 = arith.addf %add3A, %add3A_33 : vector<10000x64xf32>
    %get3A_35 = arith.constant 0 : index
    %get3A_36 = arith.constant 0 : index
    %get3A_37 = vector.load %arg4[%get3A_35, %get3A_36] : memref<64x32xf32, #tpu.memory_space<vmem>>, vector<64x32xf32>
    %dot_general3A_38 = arith.constant dense<0.000000e+00> : vector<10000x32xf32>
    %dot_general3A_39 = tpu.matmul %add3A_34, %get3A_37, %dot_general3A_38 {dimension_numbers = #tpu.dot_dimension_numbers<[1], [0], [0], [1], [0, 0, 1, 1], [], []>, transpose_lhs_hint = false} : vector<10000x64xf32>, vector<64x32xf32>, vector<10000x32xf32> -> vector<10000x32xf32>
    %get3A_40 = arith.constant 0 : index
    %get3A_41 = arith.constant 0 : index
    %get3A_42 = vector.load %arg5[%get3A_40, %get3A_41] : memref<1x32xf32, #tpu.memory_space<vmem>>, vector<1x32xf32>
    %add3A_43 = vector.broadcast %get3A_42 : vector<1x32xf32> to vector<10000x32xf32>
    %add3A_44 = arith.addf %dot_general3A_39, %add3A_43 : vector<10000x32xf32>
    %get3A_45 = arith.constant 0 : index
    %get3A_46 = arith.constant 0 : index
    %get3A_47 = vector.load %arg6[%get3A_45, %get3A_46] : memref<32x32xf32, #tpu.memory_space<vmem>>, vector<32x32xf32>
    %dot_general3A_48 = arith.constant dense<0.000000e+00> : vector<10000x32xf32>
    %dot_general3A_49 = tpu.matmul %add3A_44, %get3A_47, %dot_general3A_48 {dimension_numbers = #tpu.dot_dimension_numbers<[1], [0], [0], [1], [0, 0, 1, 1], [], []>, transpose_lhs_hint = false} : vector<10000x32xf32>, vector<32x32xf32>, vector<10000x32xf32> -> vector<10000x32xf32>
    %get3A_50 = arith.constant 0 : index
    %get3A_51 = arith.constant 0 : index
    %get3A_52 = vector.load %arg7[%get3A_50, %get3A_51] : memref<1x32xf32, #tpu.memory_space<vmem>>, vector<1x32xf32>
    %add3A_53 = vector.broadcast %get3A_52 : vector<1x32xf32> to vector<10000x32xf32>
    %add3A_54 = arith.addf %dot_general3A_49, %add3A_53 : vector<10000x32xf32>
    %transpose3A = tpu.transpose %add3A_54, [1, 0] : vector<10000x32xf32> -> vector<32x10000xf32>
    %broadcast_in_dim3A_55 = arith.constant 0.000000e+00 : f32
    %broadcast_in_dim3A_56 = vector.broadcast %broadcast_in_dim3A_55 : f32 to vector<32x16xf32>
    %concatenate3A = tpu.concatenate %transpose3A, %broadcast_in_dim3A_56 in 1 : vector<32x10000xf32>, vector<32x16xf32> -> vector<32x10016xf32>
    %swap3A = arith.constant 0 : index
    %swap3A_57 = arith.constant 0 : index
    %swap3A_58 = vector.load %arg10[%swap3A, %swap3A_57] : memref<32x10016xf32, #tpu.memory_space<vmem>>, vector<32x10016xf32>
    tpu.vector_store %arg10[%swap3A, %swap3A_57], %concatenate3A {strides = array<i32>} : memref<32x10016xf32, #tpu.memory_space<vmem>>, vector<32x10016xf32>,
    %get3A_59 = arith.constant 0 : index
    %get3A_60 = arith.constant 0 : index
    %get3A_61 = vector.load %arg8[%get3A_59, %get3A_60] : memref<32x2xf32, #tpu.memory_space<vmem>>, vector<32x2xf32>
    %dot_general3A_62 = arith.constant dense<0.000000e+00> : vector<10000x2xf32>
    %dot_general3A_63 = tpu.matmul %add3A_54, %get3A_61, %dot_general3A_62 {dimension_numbers = #tpu.dot_dimension_numbers<[1], [0], [0], [1], [0, 0, 1, 1], [], []>, transpose_lhs_hint = false} : vector<10000x32xf32>, vector<32x2xf32>, vector<10000x2xf32> -> vector<10000x2xf32>
    %reduce_max3A_64 = arith.constant dense<0xFF800000> : vector<10000xf32>
    %reduce_max3A_65 = vector.multi_reduction <maximumf>, %dot_general3A_63, %reduce_max3A_64 [1] : vector<10000x2xf32> to vector<10000xf32>
    %max3A = arith.constant 0xFF800000 : f32
    %max3A_66 = vector.broadcast %max3A : f32 to vector<10000xf32>
    %max3A_67 = arith.maximumf %max3A_66, %reduce_max3A_65 : vector<10000xf32>
    %broadcast_in_dim3A_68 = vector.shape_cast %max3A_67 : vector<10000xf32> to vector<10000x1xf32>
    %sub3A_69 = vector.broadcast %broadcast_in_dim3A_68 : vector<10000x1xf32> to vector<10000x2xf32>
    %sub3A_70 = arith.subf %dot_general3A_63, %sub3A_69 : vector<10000x2xf32>
    %exp3A_71 = math.exp %sub3A_70 : vector<10000x2xf32>
    %reduce_sum3A_72 = arith.constant dense<0.000000e+00> : vector<10000xf32>
    %reduce_sum3A_73 = vector.multi_reduction <add>, %exp3A_71, %reduce_sum3A_72 [1] : vector<10000x2xf32> to vector<10000xf32>
    %broadcast_in_dim3A_74 = vector.shape_cast %reduce_sum3A_73 : vector<10000xf32> to vector<10000x1xf32>
    %div3A_75 = vector.broadcast %broadcast_in_dim3A_74 : vector<10000x1xf32> to vector<10000x2xf32>
    %div3A_76 = arith.divf %exp3A_71, %div3A_75 : vector<10000x2xf32>
    %reduce_max3A_77 = arith.constant dense<0xFF800000> : vector<10000xf32>
    %reduce_max3A_78 = vector.multi_reduction <maximumf>, %div3A_76, %reduce_max3A_77 [1] : vector<10000x2xf32> to vector<10000xf32>
    %max3A_79 = arith.constant 0xFF800000 : f32
    %max3A_80 = vector.broadcast %max3A_79 : f32 to vector<10000xf32>
    %max3A_81 = arith.maximumf %max3A_80, %reduce_max3A_78 : vector<10000xf32>
    %broadcast_in_dim3A_82 = vector.shape_cast %max3A_81 : vector<10000xf32> to vector<10000x1xf32>
    %sub3A_83 = vector.broadcast %broadcast_in_dim3A_82 : vector<10000x1xf32> to vector<10000x2xf32>
    %sub3A_84 = arith.subf %div3A_76, %sub3A_83 : vector<10000x2xf32>
    %exp3A_85 = math.exp %sub3A_84 : vector<10000x2xf32>
    %reduce_sum3A_86 = arith.constant dense<0.000000e+00> : vector<10000xf32>
    %reduce_sum3A_87 = vector.multi_reduction <add>, %exp3A_85, %reduce_sum3A_86 [1] : vector<10000x2xf32> to vector<10000xf32>
    %broadcast_in_dim3A_88 = vector.shape_cast %reduce_sum3A_87 : vector<10000xf32> to vector<10000x1xf32>
    %div3A_89 = vector.broadcast %broadcast_in_dim3A_88 : vector<10000x1xf32> to vector<10000x2xf32>
    %div3A_90 = arith.divf %exp3A_85, %div3A_89 : vector<10000x2xf32>
    %get3A_91 = arith.constant 0 : index
    %get3A_92 = arith.constant 0 : index
    %get3A_93 = vector.load %arg9[%get3A_91, %get3A_92] : memref<10000x2xf32, #tpu.memory_space<vmem>>, vector<10000x2xf32>
    %log3A = math.log %div3A_90 : vector<10000x2xf32>
    %mul3A_94 = arith.mulf %get3A_93, %log3A : vector<10000x2xf32>
    %reduce_sum3A_95 = arith.constant dense<0.000000e+00> : vector<10000xf32>
    %reduce_sum3A_96 = vector.multi_reduction <add>, %mul3A_94, %reduce_sum3A_95 [1] : vector<10000x2xf32> to vector<10000xf32>
    %broadcast_in_dim3A_97 = arith.constant 0.000000e+00 : f32
    %broadcast_in_dim3A_98 = vector.broadcast %broadcast_in_dim3A_97 : f32 to vector<16xf32>
    %concatenate3A_99 = tpu.concatenate %reduce_sum3A_96, %broadcast_in_dim3A_98 in 0 : vector<10000xf32>, vector<16xf32> -> vector<10016xf32>
    %swap3A_100 = arith.constant 0 : index
    %swap3A_101 = vector.load %arg11[%swap3A_100] : memref<10016xf32, #tpu.memory_space<vmem>>, vector<10016xf32>
    tpu.vector_store %arg11[%swap3A_100], %concatenate3A_99 {strides = array<i32>} : memref<10016xf32, #tpu.memory_space<vmem>>, vector<10016xf32>,
    %slice3A_102 = vector.extract_strided_slice %div3A_76 {offsets = [0, 1], sizes = [10000, 1], strides = [1, 1]} : vector<10000x2xf32> to vector<10000x1xf32>
    %slice3A_103 = vector.extract_strided_slice %div3A_76 {offsets = [0, 0], sizes = [10000, 1], strides = [1, 1]} : vector<10000x2xf32> to vector<10000x1xf32>
    %gt3A = arith.cmpf ogt, %slice3A_102, %slice3A_103 : vector<10000x1xf32>
    %slice3A_104 = vector.extract_strided_slice %get3A_93 {offsets = [0, 1], sizes = [10000, 1], strides = [1, 1]} : vector<10000x2xf32> to vector<10000x1xf32>
    %slice3A_105 = vector.extract_strided_slice %get3A_93 {offsets = [0, 0], sizes = [10000, 1], strides = [1, 1]} : vector<10000x2xf32> to vector<10000x1xf32>
    %gt3A_106 = arith.cmpf ogt, %slice3A_104, %slice3A_105 : vector<10000x1xf32>
    %eq3A = arith.xori %gt3A, %gt3A_106 : vector<10000x1xi1>
    %eq3A_107 = arith.constant dense<true> : vector<10000x1xi1>
    %eq3A_108 = arith.xori %eq3A, %eq3A_107 : vector<10000x1xi1>
    %convert_element_type3A = arith.extui %eq3A_108 : vector<10000x1xi1> to vector<10000x1xi32>
    %convert_element_type3A_109 = arith.sitofp %convert_element_type3A : vector<10000x1xi32> to vector<10000x1xf32>
    %squeeze3A = vector.shape_cast %convert_element_type3A_109 : vector<10000x1xf32> to vector<10000xf32>
    %broadcast_in_dim3A_110 = arith.constant 0.000000e+00 : f32
    %broadcast_in_dim3A_111 = vector.broadcast %broadcast_in_dim3A_110 : f32 to vector<16xf32>
    %concatenate3A_112 = tpu.concatenate %squeeze3A, %broadcast_in_dim3A_111 in 0 : vector<10000xf32>, vector<16xf32> -> vector<10016xf32>
    %swap3A_113 = arith.constant 0 : index
    %swap3A_114 = vector.load %arg12[%swap3A_113] : memref<10016xf32, #tpu.memory_space<vmem>>, vector<10016xf32>
    tpu.vector_store %arg12[%swap3A_113], %concatenate3A_112 {strides = array<i32>} : memref<10016xf32, #tpu.memory_space<vmem>>, vector<10016xf32>,
    return
  }
}

module attributes {stable_mosaic.version = 14 : i64} {
  func.func @_loss_body(%arg0: memref<4x1280x128xf32, #tpu.memory_space<vmem>>, %arg1: memref<1280x128xf32, #tpu.memory_space<vmem>>, %arg2: memref<1280x128xf32, #tpu.memory_space<vmem>>, %arg3: memref<32x16xf32, #tpu.memory_space<vmem>>, %arg4: memref<32x16xf32, #tpu.memory_space<vmem>>, %arg5: memref<1x1xf32, #tpu.memory_space<vmem>>, %arg6: memref<1x1xf32, #tpu.memory_space<vmem>>) attributes {dimension_semantics = [], scalar_prefetch = 0 : i64, scratch_operands = 0 : i64, tpu.core_type = #tpu.core_type<tc>} {
    %get3A = arith.constant 0 : index
    %get3A_0 = arith.constant 0 : index
    %get3A_1 = arith.constant 0 : index
    %get3A_2 = vector.load %arg0[%get3A, %get3A_0, %get3A_1] : memref<4x1280x128xf32, #tpu.memory_space<vmem>>, vector<4x1280x128xf32>
    %reduce_sum3A = arith.constant dense<0.000000e+00> : vector<1280x128xf32>
    %reduce_sum3A_3 = vector.multi_reduction <add>, %get3A_2, %reduce_sum3A [0] : vector<4x1280x128xf32> to vector<1280x128xf32>
    %get3A_4 = arith.constant 0 : index
    %get3A_5 = arith.constant 0 : index
    %get3A_6 = vector.load %arg1[%get3A_4, %get3A_5] : memref<1280x128xf32, #tpu.memory_space<vmem>>, vector<1280x128xf32>
    %mul3A = arith.mulf %get3A_6, %reduce_sum3A_3 : vector<1280x128xf32>
    %min3A = arith.constant 0.000000e+00 : f32
    %min3A_7 = vector.broadcast %min3A : f32 to vector<1280x128xf32>
    %min3A_8 = arith.minimumf %mul3A, %min3A_7 : vector<1280x128xf32>
    %abs3A = math.absf %mul3A : vector<1280x128xf32>
    %neg3A = arith.constant 0.000000e+00 : f32
    %neg3A_9 = vector.broadcast %neg3A : f32 to vector<1280x128xf32>
    %neg3A_10 = arith.subf %neg3A_9, %abs3A : vector<1280x128xf32>
    %exp3A = math.exp %neg3A_10 : vector<1280x128xf32>
    %add3A = arith.constant 1.000000e+00 : f32
    %add3A_11 = vector.broadcast %add3A : f32 to vector<1280x128xf32>
    %add3A_12 = arith.addf %add3A_11, %exp3A : vector<1280x128xf32>
    %log3A = math.log %add3A_12 : vector<1280x128xf32>
    %sub3A = arith.subf %min3A_8, %log3A : vector<1280x128xf32>
    %get3A_13 = arith.constant 0 : index
    %get3A_14 = arith.constant 0 : index
    %get3A_15 = vector.load %arg2[%get3A_13, %get3A_14] : memref<1280x128xf32, #tpu.memory_space<vmem>>, vector<1280x128xf32>
    %mul3A_16 = arith.mulf %sub3A, %get3A_15 : vector<1280x128xf32>
    %reduce_sum3A_17 = vector.shape_cast %mul3A_16 : vector<1280x128xf32> to vector<1x1280x128xf32>
    %reduce_sum3A_18 = arith.constant dense<0.000000e+00> : vector<1xf32>
    %reduce_sum3A_19 = vector.multi_reduction <add>, %reduce_sum3A_17, %reduce_sum3A_18 [1, 2] : vector<1x1280x128xf32> to vector<1xf32>
    %reduce_sum3A_20 = vector.shape_cast %reduce_sum3A_19 : vector<1xf32> to vector<1x1x1xf32>
    %reduce_sum3A_21 = vector.extract %reduce_sum3A_20[0, 0, 0] : f32 from vector<1x1x1xf32>
    %neg3A_22 = arith.constant 0.000000e+00 : f32
    %neg3A_23 = arith.subf %neg3A_22, %reduce_sum3A_21 : f32
    %div3A = arith.constant 1.600000e+05 : f32
    %div3A_24 = arith.divf %neg3A_23, %div3A : f32
    %get3A_25 = arith.constant 0 : index
    %get3A_26 = arith.constant 0 : index
    %get3A_27 = vector.load %arg3[%get3A_25, %get3A_26] : memref<32x16xf32, #tpu.memory_space<vmem>>, vector<32x16xf32>
    %reduce_sum3A_28 = vector.shape_cast %get3A_27 : vector<32x16xf32> to vector<1x32x16xf32>
    %reduce_sum3A_29 = arith.constant dense<0.000000e+00> : vector<1xf32>
    %reduce_sum3A_30 = vector.multi_reduction <add>, %reduce_sum3A_28, %reduce_sum3A_29 [1, 2] : vector<1x32x16xf32> to vector<1xf32>
    %reduce_sum3A_31 = vector.shape_cast %reduce_sum3A_30 : vector<1xf32> to vector<1x1x1xf32>
    %reduce_sum3A_32 = vector.extract %reduce_sum3A_31[0, 0, 0] : f32 from vector<1x1x1xf32>
    %neg3A_33 = arith.constant 0.000000e+00 : f32
    %neg3A_34 = arith.subf %neg3A_33, %reduce_sum3A_32 : f32
    %div3A_35 = arith.constant 5.000000e+03 : f32
    %div3A_36 = arith.divf %neg3A_34, %div3A_35 : f32
    %get3A_37 = arith.constant 0 : index
    %get3A_38 = arith.constant 0 : index
    %get3A_39 = vector.load %arg4[%get3A_37, %get3A_38] : memref<32x16xf32, #tpu.memory_space<vmem>>, vector<32x16xf32>
    %reduce_sum3A_40 = vector.shape_cast %get3A_39 : vector<32x16xf32> to vector<1x32x16xf32>
    %reduce_sum3A_41 = arith.constant dense<0.000000e+00> : vector<1xf32>
    %reduce_sum3A_42 = vector.multi_reduction <add>, %reduce_sum3A_40, %reduce_sum3A_41 [1, 2] : vector<1x32x16xf32> to vector<1xf32>
    %reduce_sum3A_43 = vector.shape_cast %reduce_sum3A_42 : vector<1xf32> to vector<1x1x1xf32>
    %reduce_sum3A_44 = vector.extract %reduce_sum3A_43[0, 0, 0] : f32 from vector<1x1x1xf32>
    %div3A_45 = arith.constant 5.000000e+03 : f32
    %div3A_46 = arith.divf %reduce_sum3A_44, %div3A_45 : f32
    %mul3A_47 = arith.constant 5.000000e-01 : f32
    %mul3A_48 = arith.mulf %mul3A_47, %div3A_36 : f32
    %mul3A_49 = arith.constant 5.000000e-01 : f32
    %mul3A_50 = arith.mulf %mul3A_49, %div3A_24 : f32
    %add3A_51 = arith.addf %mul3A_48, %mul3A_50 : f32
    %reshape3A = vector.broadcast %add3A_51 : f32 to vector<1x1xf32>
    %swap3A = arith.constant 0 : index
    %swap3A_52 = arith.constant 0 : index
    %swap3A_53 = vector.load %arg5[%swap3A, %swap3A_52] : memref<1x1xf32, #tpu.memory_space<vmem>>, vector<1x1xf32>
    tpu.vector_store %arg5[%swap3A, %swap3A_52], %reshape3A {strides = array<i32>} : memref<1x1xf32, #tpu.memory_space<vmem>>, vector<1x1xf32>,
    %reshape3A_54 = vector.broadcast %div3A_46 : f32 to vector<1x1xf32>
    %swap3A_55 = arith.constant 0 : index
    %swap3A_56 = arith.constant 0 : index
    %swap3A_57 = vector.load %arg6[%swap3A_55, %swap3A_56] : memref<1x1xf32, #tpu.memory_space<vmem>>, vector<1x1xf32>
    tpu.vector_store %arg6[%swap3A_55, %swap3A_56], %reshape3A_54 {strides = array<i32>} : memref<1x1xf32, #tpu.memory_space<vmem>>, vector<1x1xf32>,
    return
  }
}

</mosaic_0001>

<sc_bundles>
// kernel: kernel.6.cloned.1.call-start
scs
__scs_entry_jumppad:
0x0: {  	(pc) =	sbr.rel $0x88, $3  }
0x1: {  	(tag) =	ssettag $0x0;
	lr =	simm.s32 $0x1  }
0x2: {  	[smem:$0x3F91] =	sst lr;
	_ =	strace $0xD0000000  }
0x3: {  	_ = 	snop  }
0x4: {  	_ = 	snop  }
0x5: {  	_ = 	snop  }
0x6: {  	_ = 	snop  }
0x7: {  	_ = 	snop  }
__scs_overlays_trampoline_lowered:
0x8: {  	[smem:$0x3FA0] =	sst s0  }
0x9: {  	[smem:$0x3FA1] =	sst s1  }
0xa: {  	[smem:$0x3FA2] =	sst s2  }
0xb: {  	[smem:$0x3FA3] =	sst s3  }
0xc: {  	[smem:$0x3FA4] =	sst s4  }
0xd: {  	[smem:$0x3FA5] =	sst s5  }
0xe: {  	[smem:$0x3FA6] =	sst s6  }
0xf: {  	[smem:$0x3FA7] =	sst s7  }
0x10: {  	[smem:$0x3FA8] =	sst s8  }
0x11: {  	[smem:$0x3FA9] =	sst s9;
	s0 =	simm.s32 @!p0 $0x0  }
0x12: {  	s1 =	sld [smem:$0x3F8F];
	s0 =	simm.s32 @p0 $0x1  }
0x13: {  	[smem:$0x3FAA] =	sst s0;
	s0 =	simm.s32 @!p1 $0x0  }
0x14: {  	s2 =	sld [smem:$0x3F8E];
	s0 =	simm.s32 @p1 $0x1  }
0x15: {  	[smem:$0x3FAB] =	sst s0;
	s0 =	simm.s32 @!p2 $0x0  }
0x16: {  	s3 =	sld [smem:$0x3FDB];
	s0 =	simm.s32 @p2 $0x1  }
0x17: {  	s4 =	simm.s32 $0x1BF5;
	[smem:$0x3FAD] =	sst s0  }
0x18: {  	s0 =	sld [smem:$0x3F90];
	_ =	swait.ge [sflag:s4], $0x0  }
0x19: {  	s7 =	sld [smem:$0x3F91]  }
0x1a: {  	s8 =	sadd.s32 $0xFFFFE003, lr  }
0x1b: {  	s9 =	sadd.s32 $0xFFFFFEF7, lr;
	s5 =	simm.s32 $0xFFFFFFFF;
	p2 =	slt.u32 s8, $0xFFFFF086  }
0x1c: {  	p1 =	slt.u32 s9, $0xF7A;
	s5 =	simm.s32 @!p2 $0x0  }
0x1d: {  	s5 =	simm.s32 @p1 $0x1;
	p0 =	seq.s32 s7, s2  }
0x1e: {  	s7 =	smul.u32 @!p0 $0xF7A, s2;
	p2 =	seq.s32 @!p0 s5, $0x0  }
0x1f: {  	s9 =	smul.u32 $0xF7A, s1;
	s8 =	simm.s32 @!p0 $0x1BF5;
	p2 =	por !p2, p0  }
0x20: {  	[sflag:s8] =	ssyncset.s32 @!p0 $0xFFFFF086;
	s6 =	sadd.s32 @!p0 s3, s7;
	s7 =	simm.s32 @!p0 $0x108  }
0x21: {  	s3 =	sadd.s32 s3, s9;
	s6 =	sadd.s32 @!p0 $0x88, s6;
	s7 =	simm.s32 @p2 $0x1082  }
0x22: {  	[simem:s7], [sflag:s8] =	dma.local @!p0 [hbm:s6], $0xF7A  }
0x23: {  	s9 =	sor.u32 $0xD0000000, s2;
	s6 =	simm.s32 $0x108;
	_ =	swait.ge @!p0 [sflag:s8], $0x0  }
0x24: {  	s3 =	sadd.s32 $0x88, s3;
	s6 =	simm.s32 @!p1 $0x1082;
	[sflag:s4] =	ssyncset.s32 $0xFFFFF086  }
0x25: {  	[simem:s6], [sflag:s4] =	dma.local [hbm:s3], $0xF7A  }
0x26: {  	[smem:$0x3F91] =	sst s1;
	(tag) =	ssettag s2;
	_ =	strace s9  }
0x27: {  	s1 =	sld [smem:$0x3FA1]  }
0x28: {  	s2 =	sld [smem:$0x3FA2]  }
0x29: {  	s4 =	sld [smem:$0x3FA4]  }
0x2a: {  	p0 =	seq.s32 s5, $0x0;
	s5 =	sld [smem:$0x3FA5]  }
0x2b: {  	s6 =	sld [smem:$0x3FA6]  }
0x2c: {  	s7 =	sld [smem:$0x3FA7]  }
0x2d: {  	s3 =	simm.s32 $0x108;
	s8 =	sld [smem:$0x3FA8]  }
0x2e: {  	s3 =	simm.s32 @!p0 $0x1082;
	s9 =	sld [smem:$0x3FA9]  }
0x2f: {  	lr =	sadd.s32 s0, s3;
	s0 =	sld [smem:$0x3FA0]  }
0x30: {  	s3 =	sld [smem:$0x3FA3]  }
0x31: {  	[smem:$0x3FAC] =	sst s10  }
0x32: {  	s10 =	sld [smem:$0x3FAA];
	_ =	sdelay $0x3  }
0x33: {  	p0 =	seq.s32 s10, $0x1;
	s10 =	sld [smem:$0x3FAC];
	_ =	sdelay $0x3  }
0x34: {  	[smem:$0x3FAC] =	sst s10  }
0x35: {  	s10 =	sld [smem:$0x3FAB];
	_ =	sdelay $0x3  }
0x36: {  	p1 =	seq.s32 s10, $0x1;
	s10 =	sld [smem:$0x3FAC];
	_ =	sdelay $0x3  }
0x37: {  	[smem:$0x3FAC] =	sst s10  }
0x38: {  	s10 =	sld [smem:$0x3FAD]  }
0x39: {  	_ = 	snop;
	(pc) =	sbr.ind lr, $3  }
0x3a: {  	_ = 	snop  }
0x3b: {  	_ = 	snop  }
0x3c: {  	p2 =	seq.s32 s10, $0x1;
	s10 =	sld [smem:$0x3FAC]  }
0x3d: {  	_ =	shalt  }
0x3e: {  	_ =	shalt  }
0x3f: {  	_ =	shalt  }
0x40: {  	_ =	shalt  }
0x41: {  	_ =	shalt  }
0x42: {  	_ =	shalt  }
0x43: {  	_ =	shalt  }
0x44: {  	_ =	shalt  }
0x45: {  	_ =	shalt  }
0x46: {  	_ =	shalt  }
0x47: {  	_ =	shalt  }
0x48: {  	_ =	shalt  }
0x49: {  	_ =	shalt  }
0x4a: {  	_ =	shalt  }
0x4b: {  	_ =	shalt  }
0x4c: {  	_ =	shalt  }
0x4d: {  	_ =	shalt  }
0x4e: {  	_ =	shalt  }
0x4f: {  	_ =	shalt  }
0x50: {  	_ =	shalt  }
0x51: {  	_ =	shalt  }
0x52: {  	_ =	shalt  }
0x53: {  	_ =	shalt  }
0x54: {  	_ =	shalt  }
0x55: {  	_ =	shalt  }
0x56: {  	_ =	shalt  }
0x57: {  	_ =	shalt  }
0x58: {  	_ =	shalt  }
0x59: {  	_ =	shalt  }
0x5a: {  	_ =	shalt  }
0x5b: {  	_ =	shalt  }
0x5c: {  	_ =	shalt  }
0x5d: {  	_ =	shalt  }
0x5e: {  	_ =	shalt  }
0x5f: {  	_ =	shalt  }
0x60: {  	_ =	shalt  }
0x61: {  	_ =	shalt  }
0x62: {  	_ =	shalt  }
0x63: {  	_ =	shalt  }
0x64: {  	_ =	shalt  }
0x65: {  	_ =	shalt  }
0x66: {  	_ =	shalt  }
0x67: {  	_ =	shalt  }
0x68: {  	_ =	shalt  }
0x69: {  	_ =	shalt  }
0x6a: {  	_ =	shalt  }
0x6b: {  	_ =	shalt  }
0x6c: {  	_ =	shalt  }
0x6d: {  	_ =	shalt  }
0x6e: {  	_ =	shalt  }
0x6f: {  	_ =	shalt  }
0x70: {  	_ =	shalt  }
0x71: {  	_ =	shalt  }
0x72: {  	_ =	shalt  }
0x73: {  	_ =	shalt  }
0x74: {  	_ =	shalt  }
0x75: {  	_ =	shalt  }
0x76: {  	_ =	shalt  }
0x77: {  	_ =	shalt  }
0x78: {  	_ =	shalt  }
0x79: {  	_ =	shalt  }
0x7a: {  	_ =	shalt  }
0x7b: {  	_ =	shalt  }
0x7c: {  	_ =	shalt  }
0x7d: {  	_ =	shalt  }
0x7e: {  	_ =	shalt  }
0x7f: {  	_ =	shalt  }
0x80: {  	_ =	shalt  }
0x81: {  	_ =	shalt  }
0x82: {  	_ =	shalt  }
0x83: {  	_ =	shalt  }
0x84: {  	_ =	shalt  }
0x85: {  	_ =	shalt  }
0x86: {  	_ =	shalt  }
0x87: {  	_ =	shalt  }
.Lfunc_end0:
.L_simem_size_0:
called_computation_lowered:
.L_overlay_start_0:
0x88: {  	s2 =	sld [smem:$0x3FD9]  }
0x89: {  	s3 =	sld [smem:$0x3FFE];
	_ =	sdelay $0x1  }
0x8a: {  	s1 =	srdreg.scid  }
0x8b: {  	s0 =	sand.u32 $0x1, s1  }
0x8c: {  	s16 =	sshll.u32 s0, $0xA;
	s2 =	sadd.s32 s3, s2  }
0x8d: {  	s2 =	sadd.s32 s2, s16  }
0x8e: {  	[smem:$0x3FB8] =	sst s2  }
0x8f: {  	_ = 	snop  }
0x90: {  	(tm) =	ssettm $0x1  }
0x91: {  	s17 =	sld [smem:$0x3FFB];
	_ =	sdelay $0x3  }
0x92: {  	_ =	strace s17  }
0x93: {  	s2 =	sld [smem:$0x3FFC];
	_ =	sdelay $0x3  }
0x94: {  	_ =	strace s2  }
0x95: {  	s2 =	sld [smem:$0x3FFD];
	_ =	sdelay $0x3  }
0x96: {  	_ =	strace s2  }
0x97: {  	_ =	strace $0x8FFFFFFF  }
0x98: {  	s18 =	sld [smem:$0x3FDB];
	_ =	sdelay $0x1  }
0x99: {  	s19 =	simm.s32 $_scs_section_size  }
0x9a: {  	s4 =	simm.s32 $_size__tile_overlayer_lowered;
	s5 =	simm.s32 $_tile_overlayer_lowered  }
0x9b: {  	s22 =	simm.s32 $0x1BFF;
	s21 =	sshll.u32 s5, $0x1;
	s2 =	sadd.s32 s19, s18  }
0x9c: {  	s6 =	simm.s32 $0x0;
	s20 =	sshll.u32 s4, $0x1;
	s4 =	sadd.s32 s21, s2  }
0x9d: {  	[timem:s6], [sflag:s22] =	dma.local [hbm:s4], s20  }
0x9e: {  	_ =	swait.ge [sflag:s22], s20  }
0x9f: {  	s3 =	ssub.s32 $0x0, s20;
	[sflag:s22] =	ssyncset.done $0x0  }
0xa0: {  	[sflag:s22] =	ssyncadd.s32 s3;
	_ =	sdelay $0x1  }
0xa1: {  	s23 =	simm.s32 $0x1B8B  }
0xa2: {  	_ =	swait.ge [sflag:s23], $0x1  }
0xa3: {  	[sflag:s23] =	ssyncset.done $0x0  }
0xa4: {  	s25 =	simm.s32 $0x1B8E;
	s24 =	sld [smem:$0x3FFE];
	[sflag:s23] =	ssyncadd.s32 $0xFFFFFFFF  }
0xa5: {  	s26 =	simm.s32 $execute0_lowered;
	[smem:$0x3FD2] =	sst s25  }
0xa6: {  	s4 =	sshll.u32 s26, $0x1;
	_ =	strace $0x80000046;
	[dreg:$0x1] =	wrdreg $0xFFFFFFFF  }
0xa7: {  	s28 =	simm.s32 $_size_execute0_lowered;
	s2 =	sadd.s32 s2, s4;
	[dreg:$0x0] =	wrdreg $0x0  }
0xa8: {  	s4 =	sshll.u32 s28, $0x1;
	[dreg:$0x2] =	wrdreg s2  }
0xa9: {  	[dreg:$0x3] =	wrdreg s4  }
0xaa: {  	[dreg:$0x4] =	wrdreg $0xC0  }
0xab: {  	_ =	task [dreg:s6], $0x5FFFF  }
0xac: {  	[dreg:$0x1] =	wrdreg $0xFFFFFFFF  }
0xad: {  	[dreg:$0x0] =	wrdreg $0x60  }
0xae: {  	[dreg:$0x2] =	wrdreg s24  }
0xaf: {  	[dreg:$0x3] =	wrdreg $0x9  }
0xb0: {  	_ =	task.clear_ibuf [dreg:s6], $0x4FFFF;
	_ =	strace $0x90000046  }
0xb1: {  	s29 =	simm.s32 $0x9;
	_ =	strace $0x80000048  }
0xb2: {  	_ =	swait.ge [sflag:s29], $0x1  }
0xb3: {  	[sflag:s29] =	ssyncadd.s32 $0xFFFFFFFF  }
0xb4: {  	_ =	strace $0x90000048  }
0xb5: {  	_ =	sfence  }
0xb6: {  	s30 =	sld [smem:$0x0];
	_ =	sdelay $0x2  }
0xb7: {  	s31 =	sshll.u32 s1, $0xD;
	s1 =	sshrl.u32 s1, $0x2  }
0xb8: {  	s3 =	sand.u32 $0x4000, s31;
	s1 =	sadd.s32 s1, s30  }
0xb9: {  	s0 =	sor.u32 s3, s0;
	s1 =	sshll.u32 s1, $0x11  }
0xba: {  	s0 =	sor.u32 s1, s0  }
0xbb: {  	s0 =	sadd.s32 $0x8F2B, s0  }
0xbc: {  	[sflag:s0] =	ssyncadd.remote.s32 $0x1  }
0xbd: {  	_ =	sfence.sel $0xFFFF  }
0xbe: {  	[dreg:$0x0] =	wrdreg $0xFFFFFFFF;
	(pc) =	sbr.abs _section_cstart, $3  }
0xbf: {  	[dreg:$0x1] =	wrdreg $0xFFFFFFFF  }
0xc0: {  	_ =	task.clear_ibuf [dreg:s6], $0x2FFFF;
	_ =	strace $0x9FFFFFFF  }
0xc1: {  	(tm) =	ssettm $0x7FFFFFFF  }
tec
execute0_lowered:
.L_overlay_start_1:
0x0: {  	(tag) =	ssettag $0x1  }
0x1: {  	s0 =	srdreg.scid  }
0x2: {  	s7 =	stileid.u32;
	s3 =	rddreg [dreg:$0x0]  }
0x3: {  	s2 =	simm.s32 $0x0;
	s28 =	simm.s32 $0x14900;
	s29 =	simm.s32 $0x15900  }
0x4: {  	s30 =	simm.s32 $0x16900;
	s31 =	simm.s32 $0x19080;
	s0 =	sand.u32 $0x1, s0  }
0x5: {  	s1 =	sshll.u32 s7, $0x1;
	[smem:$0x7FF] =	sst s2;
	s18 =	sadd.s32 $0xE800, s3  }
0x6: {  	s19 =	sadd.s32 $0x13800, s3;
	s15 =	sadd.s32 $0x3E00, s3;
	s16 =	sadd.s32 $0x4400, s3  }
0x7: {  	s17 =	sshrl.u32 s7, $0x1;
	_ =	strace $0x80000047;
	[dreg:$0x2] =	wrdreg s15  }
0x8: {  	s20 =	sadd.s32 $0x18C00, s3;
	s1 =	sor.u32 s0, s1;
	[dreg:$0x3] =	wrdreg s16  }
0x9: {  	s0 =	ssub.s32 $0x2, s0;
	s17 =	smul.u32 $0x5000, s17;
	s4 =	sand.u32 $0x3, s1  }
0xa: {  	s6 =	sshll.u32 s1, $0x5;
	s1 =	sshll.u32 s1, $0x4;
	s5 =	smul.u32 $0x2720, s4  }
0xb: {  	s22 =	sshrl.u32 s0, $0x1;
	s21 =	sadd.s32 s6, s3;
	s4 =	smul.u32 $0x28000, s4  }
0xc: {  	s1 =	sadd.s32 s1, s3;
	s0 =	ssub.s32 s0, s22;
	s23 =	sshrl.u32 s17, $0x3  }
0xd: {  	s9 =	sadd.s32 $0x1000, s17;
	s13 =	sadd.s32 $0x2000, s17;
	s16 =	sadd.s32 $0x3000, s17  }
0xe: {  	s6 =	sadd.s32 s18, s23;
	s7 =	sadd.s32 s19, s23;
	s25 =	sshrl.u32 s9, $0x3  }
0xf: {  	s26 =	sshrl.u32 s13, $0x3;
	s22 =	sshrl.u32 s16, $0x3;
	s21 =	sadd.s32 $0x18800, s21  }
0x10: {  	s5 =	sadd.s32 s5, s3;
	s8 =	sadd.s32 s17, s4;
	s10 =	sadd.s32 s9, s4  }
0x11: {  	s9 =	sadd.s32 s18, s25;
	s12 =	sadd.s32 s18, s26;
	s14 =	sadd.s32 s13, s4  }
0x12: {  	s13 =	sadd.s32 s19, s26;
	s23 =	sadd.s32 s16, s4;
	s16 =	sadd.s32 s19, s22  }
0x13: {  	s5 =	sadd.s32 $0x4A00, s5;
	s24 =	sshrl.u32 s8, $0x3;
	s11 =	sshrl.u32 s10, $0x3  }
0x14: {  	s10 =	sadd.s32 s19, s25;
	s15 =	sshrl.u32 s14, $0x3;
	s3 =	sshrl.u32 s23, $0x3  }
0x15: {  	s23 =	sadd.s32 $0x2CE00, s1;
	s8 =	sadd.s32 s20, s24;
	s11 =	sadd.s32 s20, s11  }
0x16: {  	s14 =	sadd.s32 s20, s15;
	s15 =	sadd.s32 s18, s22;
	s24 =	sadd.s32 $0x4000, s17  }
0x17: {  	s17 =	sadd.s32 s20, s3;
	s22 =	sadd.s32 $0x2CC00, s1;
	s25 =	sadd.s32 s24, s4  }
0x18: {  	s26 =	sshrl.u32 s24, $0x3;
	s24 =	smax.u32 s0, $0x1;
	s0 =	simm.s32 $0x0  }
0x19: {  	s18 =	sadd.s32 s18, s26;
	s19 =	sadd.s32 s19, s26;
	s3 =	sshrl.u32 s25, $0x3  }
0x1a: {  	s25 =	simm.s32 $0x1;
	s26 =	simm.s32 $0x13900;
	s20 =	sadd.s32 s20, s3  }
.LBB2_1:
0x1b: {  	[tilespmem:s2], [sflag:$0x1] =	stream.linear.gather [hbm4b:s5+s2], $0x13900, $0x38;
	[tilespmem:$0x1BA00] =	vst v63  }
0x1c: {  	_ =	swait.ge [sflag:s25], $0x13900  }
0x1d: {  	[sflag:s25] =	ssyncset.done $0x0  }
0x1e: {  	[sflag:s25] =	ssyncadd.s32 $0xFFFEC700  }
0x1f: {  	[tilespmem:s26], [sflag:$0x1] =	stream.linear.gather [hbm4b:s6+s2], $0x1000, $0x38;
	[tilespmem:$0x1BA00] =	vst v63  }
0x20: {  	_ =	swait.ge [sflag:s25], $0x1000  }
0x21: {  	[sflag:s25] =	ssyncset.done $0x0  }
0x22: {  	[sflag:s25] =	ssyncadd.s32 $0xFFFFF000  }
0x23: {  	[tilespmem:s28], [sflag:$0x1] =	stream.linear.gather [hbm4b:s7+s2], $0x1000, $0x38;
	[tilespmem:$0x1BA00] =	vst v63  }
0x24: {  	_ =	swait.ge [sflag:s25], $0x1000  }
0x25: {  	[sflag:s25] =	ssyncset.done $0x0  }
0x26: {  	s1 =	simm.s32 $0x0;
	[sflag:s25] =	ssyncadd.s32 $0xFFFFF000  }
0x27: {  	v0 =	vld [tilespmem:s1+$0x13900]  }
0x28: {  	v1 =	vld [tilespmem:s1+$0x14900];
	_ =	sdelay $0x4  }
0x29: {  	v2 =	vadd.s32 $0x2720, v0  }
0x2a: {  	v3 =	vadd.s32 $0x2720, v1  }
0x2b: {  	v4 =	vadd.s32 $0x4E40, v0  }
0x2c: {  	v6 =	vadd.s32 $0x4E40, v1;
	v5 =	vld.idx.msk [tilespmem:v1+s2+$0x0], $0xffff  }
0x2d: {  	v8 =	vadd.s32 $0x7560, v0;
	v7 =	vld.idx.msk [tilespmem:v0+s2+$0x0], $0xffff  }
0x2e: {  	v9 =	vadd.s32 $0x7560, v1;
	v2 =	vld.idx.msk [tilespmem:v2+s2+$0x0], $0xffff  }
0x2f: {  	v10 =	vadd.s32 $0x9C80, v0;
	v3 =	vld.idx.msk [tilespmem:v3+s2+$0x0], $0xffff  }
0x30: {  	v11 =	vadd.s32 $0x9C80, v1;
	v4 =	vld.idx.msk [tilespmem:v4+s2+$0x0], $0xffff  }
0x31: {  	v12 =	vadd.s32 $0xC3A0, v0;
	v6 =	vld.idx.msk [tilespmem:v6+s2+$0x0], $0xffff  }
0x32: {  	v13 =	vadd.s32 $0xC3A0, v1;
	v8 =	vld.idx.msk [tilespmem:v8+s2+$0x0], $0xffff;
	v5 =	vmul.f32 v5, v7  }
0x33: {  	v63 =	vadd.s32 $0xEAC0, v0;
	v7 =	vld.idx.msk [tilespmem:v9+s2+$0x0], $0xffff  }
0x34: {  	v14 =	vadd.s32 $0xEAC0, v1;
	v10 =	vld.idx.msk [tilespmem:v10+s2+$0x0], $0xffff;
	v5 =	vadd.f32 $0.0e+00, v5;
	v2 =	vmul.f32 v3, v2  }
0x35: {  	v0 =	vadd.s32 $0x111E0, v0;
	v11 =	vld.idx.msk [tilespmem:v11+s2+$0x0], $0xffff  }
0x36: {  	v1 =	vadd.s32 $0x111E0, v1;
	v12 =	vld.idx.msk [tilespmem:v12+s2+$0x0], $0xffff;
	v4 =	vmul.f32 v6, v4;
	v3 =	vadd.f32 v2, v5  }
0x37: {  	v13 =	vld.idx.msk [tilespmem:v13+s2+$0x0], $0xffff  }
0x38: {  	v2 =	vld.idx.msk [tilespmem:v63+s2+$0x0], $0xffff;
	v6 =	vmul.f32 v7, v8;
	v5 =	vadd.f32 v4, v3  }
0x39: {  	v4 =	vld.idx.msk [tilespmem:v14+s2+$0x0], $0xffff  }
0x3a: {  	v7 =	vmul.f32 v11, v10;
	v3 =	vld.idx.msk [tilespmem:v0+s2+$0x0], $0xffff;
	v6 =	vadd.f32 v6, v5  }
0x3b: {  	s3 =	simm.s32 $0x10;
	v5 =	vld.idx.msk [tilespmem:v1+s2+$0x0], $0xffff  }
0x3c: {  	v0 =	vld [tilespmem:s3+$0x13900];
	v6 =	vadd.f32 v7, v6;
	v7 =	vmul.f32 v13, v12  }
0x3d: {  	s4 =	simm.s32 $0x80;
	v1 =	vld [tilespmem:s3+$0x14900]  }
.LBB2_2:
0x3e: {  	p0 =	sne.s32 s4, $0x3FC0;
	v6 =	vadd.f32 v7, v6;
	v2 =	vmul.f32 v4, v2;
	_ =	sdelay $0x1  }
0x3f: {  	v3 =	vmul.f32 v5, v3;
	v2 =	vadd.f32 v2, v6;
	_ =	sdelay $0x1  }
0x40: {  	v4 =	vadd.s32 $0x2720, v0;
	v2 =	vadd.f32 v3, v2  }
0x41: {  	v3 =	vadd.s32 $0x2720, v1  }
0x42: {  	v5 =	vadd.s32 $0x4E40, v0;
	[tilespmem:s1+$0x15900] =	vst v2;
	s1 =	smov.u32 s3  }
0x43: {  	v6 =	vadd.s32 $0x4E40, v1;
	v2 =	vld.idx.msk [tilespmem:v1+s2+$0x0], $0xffff  }
0x44: {  	v8 =	vadd.s32 $0x7560, v0;
	v7 =	vld.idx.msk [tilespmem:v0+s2+$0x0], $0xffff  }
0x45: {  	v9 =	vadd.s32 $0x7560, v1;
	v4 =	vld.idx.msk [tilespmem:v4+s2+$0x0], $0xffff  }
0x46: {  	v10 =	vadd.s32 $0x9C80, v0;
	v3 =	vld.idx.msk [tilespmem:v3+s2+$0x0], $0xffff  }
0x47: {  	v11 =	vadd.s32 $0x9C80, v1;
	v5 =	vld.idx.msk [tilespmem:v5+s2+$0x0], $0xffff  }
0x48: {  	v12 =	vadd.s32 $0xC3A0, v0;
	v6 =	vld.idx.msk [tilespmem:v6+s2+$0x0], $0xffff  }
0x49: {  	v13 =	vadd.s32 $0xC3A0, v1;
	v8 =	vld.idx.msk [tilespmem:v8+s2+$0x0], $0xffff  }
0x4a: {  	v2 =	vmul.f32 v2, v7;
	v7 =	vld.idx.msk [tilespmem:v9+s2+$0x0], $0xffff;
	v9 =	vadd.s32 $0xEAC0, v0  }
0x4b: {  	v14 =	vadd.s32 $0xEAC0, v1;
	v10 =	vld.idx.msk [tilespmem:v10+s2+$0x0], $0xffff  }
0x4c: {  	v0 =	vadd.s32 $0x111E0, v0;
	v2 =	vadd.f32 $0.0e+00, v2;
	v3 =	vmul.f32 v3, v4;
	v11 =	vld.idx.msk [tilespmem:v11+s2+$0x0], $0xffff  }
0x4d: {  	v1 =	vadd.s32 $0x111E0, v1;
	v12 =	vld.idx.msk [tilespmem:v12+s2+$0x0], $0xffff  }
0x4e: {  	v3 =	vadd.f32 v3, v2;
	v4 =	vmul.f32 v6, v5;
	v13 =	vld.idx.msk [tilespmem:v13+s2+$0x0], $0xffff  }
0x4f: {  	v2 =	vld.idx.msk [tilespmem:v9+s2+$0x0], $0xffff  }
0x50: {  	v5 =	vadd.f32 v4, v3;
	v6 =	vmul.f32 v7, v8;
	v4 =	vld.idx.msk [tilespmem:v14+s2+$0x0], $0xffff  }
.Ltmp0:
0x51: {  	v3 =	vld.idx.msk [tilespmem:v0+s2+$0x0], $0xffff;
	(pc) =	sbr.rel @p0 .LBB2_2-.Ltmp0, $4  }
0x52: {  	v6 =	vadd.f32 v6, v5;
	v7 =	vmul.f32 v11, v10;
	v5 =	vld.idx.msk [tilespmem:v1+s2+$0x0], $0xffff  }
0x53: {  	s3 =	sshra.s32 s4, $0x2  }
0x54: {  	v6 =	vadd.f32 v7, v6;
	v7 =	vmul.f32 v13, v12;
	v0 =	vld [tilespmem:s3+$0x13900]  }
0x55: {  	s4 =	sadd.s32 $0x40, s4;
	v1 =	vld [tilespmem:s3+$0x14900]  }
0x56: {  	_ = 	snop  }
0x57: {  	v6 =	vadd.f32 v7, v6;
	v2 =	vmul.f32 v4, v2;
	_ =	sdelay $0x1  }
0x58: {  	v3 =	vmul.f32 v5, v3;
	v2 =	vadd.f32 v2, v6;
	_ =	sdelay $0x1  }
0x59: {  	v4 =	vadd.s32 $0x2720, v0;
	v2 =	vadd.f32 v3, v2  }
0x5a: {  	v3 =	vadd.s32 $0x2720, v1  }
0x5b: {  	v5 =	vadd.s32 $0x4E40, v0;
	[tilespmem:s1+$0x15900] =	vst v2  }
0x5c: {  	v6 =	vadd.s32 $0x4E40, v1;
	v2 =	vld.idx.msk [tilespmem:v1+s2+$0x0], $0xffff  }
0x5d: {  	v8 =	vadd.s32 $0x7560, v0;
	v7 =	vld.idx.msk [tilespmem:v0+s2+$0x0], $0xffff  }
0x5e: {  	v9 =	vadd.s32 $0x7560, v1;
	v4 =	vld.idx.msk [tilespmem:v4+s2+$0x0], $0xffff  }
0x5f: {  	v10 =	vadd.s32 $0x9C80, v0;
	v3 =	vld.idx.msk [tilespmem:v3+s2+$0x0], $0xffff  }
0x60: {  	v11 =	vadd.s32 $0x9C80, v1;
	v5 =	vld.idx.msk [tilespmem:v5+s2+$0x0], $0xffff  }
0x61: {  	v12 =	vadd.s32 $0xC3A0, v0;
	v6 =	vld.idx.msk [tilespmem:v6+s2+$0x0], $0xffff  }
0x62: {  	v13 =	vadd.s32 $0xC3A0, v1;
	v8 =	vld.idx.msk [tilespmem:v8+s2+$0x0], $0xffff;
	v2 =	vmul.f32 v2, v7  }
0x63: {  	v55 =	vadd.s32 $0xEAC0, v0;
	v7 =	vld.idx.msk [tilespmem:v9+s2+$0x0], $0xffff  }
0x64: {  	v14 =	vadd.s32 $0xEAC0, v1;
	v10 =	vld.idx.msk [tilespmem:v10+s2+$0x0], $0xffff;
	v2 =	vadd.f32 $0.0e+00, v2;
	v3 =	vmul.f32 v3, v4  }
0x65: {  	v0 =	vadd.s32 $0x111E0, v0;
	v4 =	vld.idx.msk [tilespmem:v11+s2+$0x0], $0xffff  }
0x66: {  	v1 =	vadd.s32 $0x111E0, v1;
	v56 =	vld.idx.msk [tilespmem:v12+s2+$0x0], $0xffff;
	v2 =	vadd.f32 v3, v2;
	v3 =	vmul.f32 v6, v5  }
0x67: {  	v5 =	vld.idx.msk [tilespmem:v13+s2+$0x0], $0xffff  }
0x68: {  	v6 =	vld.idx.msk [tilespmem:v55+s2+$0x0], $0xffff;
	v2 =	vadd.f32 v3, v2;
	v3 =	vmul.f32 v7, v8  }
0x69: {  	v7 =	vld.idx.msk [tilespmem:v14+s2+$0x0], $0xffff  }
0x6a: {  	v0 =	vld.idx.msk [tilespmem:v0+s2+$0x0], $0xffff;
	v2 =	vadd.f32 v3, v2;
	v3 =	vmul.f32 v4, v10  }
0x6b: {  	v1 =	vld.idx.msk [tilespmem:v1+s2+$0x0], $0xffff  }
0x6c: {  	v2 =	vadd.f32 v3, v2;
	v3 =	vmul.f32 v5, v56;
	_ =	sdelay $0x1  }
0x6d: {  	v2 =	vadd.f32 v3, v2;
	v3 =	vmul.f32 v7, v6;
	_ =	sdelay $0x1  }
0x6e: {  	v0 =	vmul.f32 v1, v0;
	v2 =	vadd.f32 v3, v2;
	_ =	sdelay $0x1  }
0x6f: {  	v0 =	vadd.f32 v0, v2;
	_ =	sdelay $0x1  }
0x70: {  	s4 =	simm.s32 $0x0;
	[tilespmem:s3+$0x15900] =	vst v0  }
0x71: {  	[hbm4b:s8+s4] =	stream.linear.scatter [tilespmem:s29], [sflag:$0x1], $0x1000, $0x38;
	[tilespmem:$0x1BA00] =	vst v63  }
0x72: {  	_ =	swait.ge [sflag:s25], $0x1000  }
0x73: {  	[sflag:s25] =	ssyncset.done $0x0  }
0x74: {  	[sflag:s25] =	ssyncadd.s32 $0xFFFFF000  }
0x75: {  	[tilespmem:s26], [sflag:$0x1] =	stream.linear.gather [hbm4b:s9+s4], $0x1000, $0x38;
	[tilespmem:$0x1BA00] =	vst v63  }
0x76: {  	_ =	swait.ge [sflag:s25], $0x1000  }
0x77: {  	[sflag:s25] =	ssyncset.done $0x0  }
0x78: {  	[sflag:s25] =	ssyncadd.s32 $0xFFFFF000  }
0x79: {  	[tilespmem:s28], [sflag:$0x1] =	stream.linear.gather [hbm4b:s10+s4], $0x1000, $0x38;
	[tilespmem:$0x1BA00] =	vst v63  }
0x7a: {  	_ =	swait.ge [sflag:s25], $0x1000  }
0x7b: {  	[sflag:s25] =	ssyncset.done $0x0  }
0x7c: {  	s1 =	simm.s32 $0x0;
	[sflag:s25] =	ssyncadd.s32 $0xFFFFF000  }
0x7d: {  	v0 =	vld [tilespmem:s1+$0x13900]  }
0x7e: {  	v1 =	vld [tilespmem:s1+$0x14900];
	_ =	sdelay $0x4  }
0x7f: {  	v2 =	vadd.s32 $0x2720, v0  }
0x80: {  	v3 =	vadd.s32 $0x2720, v1  }
0x81: {  	v4 =	vadd.s32 $0x4E40, v0  }
0x82: {  	v6 =	vadd.s32 $0x4E40, v1;
	v5 =	vld.idx.msk [tilespmem:v1+s2+$0x0], $0xffff  }
0x83: {  	v8 =	vadd.s32 $0x7560, v0;
	v7 =	vld.idx.msk [tilespmem:v0+s2+$0x0], $0xffff  }
0x84: {  	v57 =	vadd.s32 $0x7560, v1;
	v2 =	vld.idx.msk [tilespmem:v2+s2+$0x0], $0xffff  }
0x85: {  	v58 =	vadd.s32 $0x9C80, v0;
	v3 =	vld.idx.msk [tilespmem:v3+s2+$0x0], $0xffff  }
0x86: {  	v59 =	vadd.s32 $0x9C80, v1;
	v4 =	vld.idx.msk [tilespmem:v4+s2+$0x0], $0xffff  }
0x87: {  	v60 =	vadd.s32 $0xC3A0, v0;
	v6 =	vld.idx.msk [tilespmem:v6+s2+$0x0], $0xffff  }
0x88: {  	v61 =	vadd.s32 $0xC3A0, v1;
	v8 =	vld.idx.msk [tilespmem:v8+s2+$0x0], $0xffff;
	v5 =	vmul.f32 v5, v7  }
0x89: {  	v62 =	vadd.s32 $0xEAC0, v0;
	v7 =	vld.idx.msk [tilespmem:v57+s2+$0x0], $0xffff  }
0x8a: {  	v63 =	vadd.s32 $0xEAC0, v1;
	v10 =	vld.idx.msk [tilespmem:v58+s2+$0x0], $0xffff;
	v5 =	vadd.f32 $0.0e+00, v5;
	v2 =	vmul.f32 v3, v2  }
0x8b: {  	v0 =	vadd.s32 $0x111E0, v0;
	v11 =	vld.idx.msk [tilespmem:v59+s2+$0x0], $0xffff  }
0x8c: {  	v1 =	vadd.s32 $0x111E0, v1;
	v12 =	vld.idx.msk [tilespmem:v60+s2+$0x0], $0xffff;
	v4 =	vmul.f32 v6, v4;
	v3 =	vadd.f32 v2, v5  }
0x8d: {  	v13 =	vld.idx.msk [tilespmem:v61+s2+$0x0], $0xffff  }
0x8e: {  	v2 =	vld.idx.msk [tilespmem:v62+s2+$0x0], $0xffff;
	v6 =	vmul.f32 v7, v8;
	v5 =	vadd.f32 v4, v3  }
0x8f: {  	v4 =	vld.idx.msk [tilespmem:v63+s2+$0x0], $0xffff  }
0x90: {  	v7 =	vmul.f32 v11, v10;
	v3 =	vld.idx.msk [tilespmem:v0+s2+$0x0], $0xffff;
	v6 =	vadd.f32 v6, v5  }
0x91: {  	s3 =	simm.s32 $0x10;
	v5 =	vld.idx.msk [tilespmem:v1+s2+$0x0], $0xffff  }
0x92: {  	v0 =	vld [tilespmem:s3+$0x13900];
	v6 =	vadd.f32 v7, v6;
	v7 =	vmul.f32 v13, v12  }
0x93: {  	s4 =	simm.s32 $0x80;
	v1 =	vld [tilespmem:s3+$0x14900]  }
.LBB2_4:
0x94: {  	p0 =	sne.s32 s4, $0x3FC0;
	v6 =	vadd.f32 v7, v6;
	v2 =	vmul.f32 v4, v2;
	_ =	sdelay $0x1  }
0x95: {  	v3 =	vmul.f32 v5, v3;
	v2 =	vadd.f32 v2, v6;
	_ =	sdelay $0x1  }
0x96: {  	v4 =	vadd.s32 $0x2720, v0;
	v2 =	vadd.f32 v3, v2  }
0x97: {  	v3 =	vadd.s32 $0x2720, v1  }
0x98: {  	v5 =	vadd.s32 $0x4E40, v0;
	[tilespmem:s1+$0x15900] =	vst v2;
	s1 =	smov.u32 s3  }
0x99: {  	v6 =	vadd.s32 $0x4E40, v1;
	v2 =	vld.idx.msk [tilespmem:v1+s2+$0x0], $0xffff  }
0x9a: {  	v8 =	vadd.s32 $0x7560, v0;
	v7 =	vld.idx.msk [tilespmem:v0+s2+$0x0], $0xffff  }
0x9b: {  	v9 =	vadd.s32 $0x7560, v1;
	v4 =	vld.idx.msk [tilespmem:v4+s2+$0x0], $0xffff  }
0x9c: {  	v10 =	vadd.s32 $0x9C80, v0;
	v3 =	vld.idx.msk [tilespmem:v3+s2+$0x0], $0xffff  }
0x9d: {  	v11 =	vadd.s32 $0x9C80, v1;
	v5 =	vld.idx.msk [tilespmem:v5+s2+$0x0], $0xffff  }
0x9e: {  	v12 =	vadd.s32 $0xC3A0, v0;
	v6 =	vld.idx.msk [tilespmem:v6+s2+$0x0], $0xffff  }
0x9f: {  	v13 =	vadd.s32 $0xC3A0, v1;
	v8 =	vld.idx.msk [tilespmem:v8+s2+$0x0], $0xffff  }
0xa0: {  	v2 =	vmul.f32 v2, v7;
	v7 =	vld.idx.msk [tilespmem:v9+s2+$0x0], $0xffff;
	v9 =	vadd.s32 $0xEAC0, v0  }
0xa1: {  	v14 =	vadd.s32 $0xEAC0, v1;
	v10 =	vld.idx.msk [tilespmem:v10+s2+$0x0], $0xffff  }
0xa2: {  	v0 =	vadd.s32 $0x111E0, v0;
	v2 =	vadd.f32 $0.0e+00, v2;
	v3 =	vmul.f32 v3, v4;
	v11 =	vld.idx.msk [tilespmem:v11+s2+$0x0], $0xffff  }
0xa3: {  	v1 =	vadd.s32 $0x111E0, v1;
	v12 =	vld.idx.msk [tilespmem:v12+s2+$0x0], $0xffff  }
0xa4: {  	v3 =	vadd.f32 v3, v2;
	v4 =	vmul.f32 v6, v5;
	v13 =	vld.idx.msk [tilespmem:v13+s2+$0x0], $0xffff  }
0xa5: {  	v2 =	vld.idx.msk [tilespmem:v9+s2+$0x0], $0xffff  }
0xa6: {  	v5 =	vadd.f32 v4, v3;
	v6 =	vmul.f32 v7, v8;
	v4 =	vld.idx.msk [tilespmem:v14+s2+$0x0], $0xffff  }
.Ltmp1:
0xa7: {  	v3 =	vld.idx.msk [tilespmem:v0+s2+$0x0], $0xffff;
	(pc) =	sbr.rel @p0 .LBB2_4-.Ltmp1, $4  }
0xa8: {  	v6 =	vadd.f32 v6, v5;
	v7 =	vmul.f32 v11, v10;
	v5 =	vld.idx.msk [tilespmem:v1+s2+$0x0], $0xffff  }
0xa9: {  	s3 =	sshra.s32 s4, $0x2  }
0xaa: {  	v6 =	vadd.f32 v7, v6;
	v7 =	vmul.f32 v13, v12;
	v0 =	vld [tilespmem:s3+$0x13900]  }
0xab: {  	s4 =	sadd.s32 $0x40, s4;
	v1 =	vld [tilespmem:s3+$0x14900]  }
0xac: {  	_ = 	snop  }
0xad: {  	v6 =	vadd.f32 v7, v6;
	v2 =	vmul.f32 v4, v2;
	_ =	sdelay $0x1  }
0xae: {  	v3 =	vmul.f32 v5, v3;
	v2 =	vadd.f32 v2, v6;
	_ =	sdelay $0x1  }
0xaf: {  	v4 =	vadd.s32 $0x2720, v0;
	v2 =	vadd.f32 v3, v2  }
0xb0: {  	v3 =	vadd.s32 $0x2720, v1  }
0xb1: {  	v5 =	vadd.s32 $0x4E40, v0;
	[tilespmem:s1+$0x15900] =	vst v2  }
0xb2: {  	v6 =	vadd.s32 $0x4E40, v1;
	v2 =	vld.idx.msk [tilespmem:v1+s2+$0x0], $0xffff  }
0xb3: {  	v8 =	vadd.s32 $0x7560, v0;
	v7 =	vld.idx.msk [tilespmem:v0+s2+$0x0], $0xffff  }
0xb4: {  	v9 =	vadd.s32 $0x7560, v1;
	v4 =	vld.idx.msk [tilespmem:v4+s2+$0x0], $0xffff  }
0xb5: {  	v10 =	vadd.s32 $0x9C80, v0;
	v3 =	vld.idx.msk [tilespmem:v3+s2+$0x0], $0xffff  }
0xb6: {  	v11 =	vadd.s32 $0x9C80, v1;
	v5 =	vld.idx.msk [tilespmem:v5+s2+$0x0], $0xffff  }
0xb7: {  	v12 =	vadd.s32 $0xC3A0, v0;
	v6 =	vld.idx.msk [tilespmem:v6+s2+$0x0], $0xffff  }
0xb8: {  	v13 =	vadd.s32 $0xC3A0, v1;
	v8 =	vld.idx.msk [tilespmem:v8+s2+$0x0], $0xffff;
	v2 =	vmul.f32 v2, v7  }
0xb9: {  	v55 =	vadd.s32 $0xEAC0, v0;
	v7 =	vld.idx.msk [tilespmem:v9+s2+$0x0], $0xffff  }
0xba: {  	v14 =	vadd.s32 $0xEAC0, v1;
	v10 =	vld.idx.msk [tilespmem:v10+s2+$0x0], $0xffff;
	v2 =	vadd.f32 $0.0e+00, v2;
	v3 =	vmul.f32 v3, v4  }
0xbb: {  	v0 =	vadd.s32 $0x111E0, v0;
	v4 =	vld.idx.msk [tilespmem:v11+s2+$0x0], $0xffff  }
0xbc: {  	v1 =	vadd.s32 $0x111E0, v1;
	v56 =	vld.idx.msk [tilespmem:v12+s2+$0x0], $0xffff;
	v2 =	vadd.f32 v3, v2;
	v3 =	vmul.f32 v6, v5  }
0xbd: {  	v5 =	vld.idx.msk [tilespmem:v13+s2+$0x0], $0xffff  }
0xbe: {  	v6 =	vld.idx.msk [tilespmem:v55+s2+$0x0], $0xffff;
	v2 =	vadd.f32 v3, v2;
	v3 =	vmul.f32 v7, v8  }
0xbf: {  	v7 =	vld.idx.msk [tilespmem:v14+s2+$0x0], $0xffff  }
0xc0: {  	v0 =	vld.idx.msk [tilespmem:v0+s2+$0x0], $0xffff;
	v2 =	vadd.f32 v3, v2;
	v3 =	vmul.f32 v4, v10  }
0xc1: {  	v1 =	vld.idx.msk [tilespmem:v1+s2+$0x0], $0xffff  }
0xc2: {  	v2 =	vadd.f32 v3, v2;
	v3 =	vmul.f32 v5, v56;
	_ =	sdelay $0x1  }
0xc3: {  	v2 =	vadd.f32 v3, v2;
	v3 =	vmul.f32 v7, v6;
	_ =	sdelay $0x1  }
0xc4: {  	v0 =	vmul.f32 v1, v0;
	v2 =	vadd.f32 v3, v2;
	_ =	sdelay $0x1  }
0xc5: {  	v0 =	vadd.f32 v0, v2;
	_ =	sdelay $0x1  }
0xc6: {  	s4 =	simm.s32 $0x0;
	[tilespmem:s3+$0x15900] =	vst v0  }
0xc7: {  	[hbm4b:s11+s4] =	stream.linear.scatter [tilespmem:s29], [sflag:$0x1], $0x1000, $0x38;
	[tilespmem:$0x1BA00] =	vst v63  }
0xc8: {  	_ =	swait.ge [sflag:s25], $0x1000  }
0xc9: {  	[sflag:s25] =	ssyncset.done $0x0  }
0xca: {  	[sflag:s25] =	ssyncadd.s32 $0xFFFFF000  }
0xcb: {  	[tilespmem:s26], [sflag:$0x1] =	stream.linear.gather [hbm4b:s12+s4], $0x1000, $0x38;
	[tilespmem:$0x1BA00] =	vst v63  }
0xcc: {  	_ =	swait.ge [sflag:s25], $0x1000  }
0xcd: {  	[sflag:s25] =	ssyncset.done $0x0  }
0xce: {  	[sflag:s25] =	ssyncadd.s32 $0xFFFFF000  }
0xcf: {  	[tilespmem:s28], [sflag:$0x1] =	stream.linear.gather [hbm4b:s13+s4], $0x1000, $0x38;
	[tilespmem:$0x1BA00] =	vst v63  }
0xd0: {  	_ =	swait.ge [sflag:s25], $0x1000  }
0xd1: {  	[sflag:s25] =	ssyncset.done $0x0  }
0xd2: {  	s1 =	simm.s32 $0x0;
	[sflag:s25] =	ssyncadd.s32 $0xFFFFF000  }
0xd3: {  	v0 =	vld [tilespmem:s1+$0x13900]  }
0xd4: {  	v1 =	vld [tilespmem:s1+$0x14900];
	_ =	sdelay $0x4  }
0xd5: {  	v2 =	vadd.s32 $0x2720, v0  }
0xd6: {  	v3 =	vadd.s32 $0x2720, v1  }
0xd7: {  	v4 =	vadd.s32 $0x4E40, v0  }
0xd8: {  	v6 =	vadd.s32 $0x4E40, v1;
	v5 =	vld.idx.msk [tilespmem:v1+s2+$0x0], $0xffff  }
0xd9: {  	v8 =	vadd.s32 $0x7560, v0;
	v7 =	vld.idx.msk [tilespmem:v0+s2+$0x0], $0xffff  }
0xda: {  	v57 =	vadd.s32 $0x7560, v1;
	v2 =	vld.idx.msk [tilespmem:v2+s2+$0x0], $0xffff  }
0xdb: {  	v58 =	vadd.s32 $0x9C80, v0;
	v3 =	vld.idx.msk [tilespmem:v3+s2+$0x0], $0xffff  }
0xdc: {  	v59 =	vadd.s32 $0x9C80, v1;
	v4 =	vld.idx.msk [tilespmem:v4+s2+$0x0], $0xffff  }
0xdd: {  	v60 =	vadd.s32 $0xC3A0, v0;
	v6 =	vld.idx.msk [tilespmem:v6+s2+$0x0], $0xffff  }
0xde: {  	v61 =	vadd.s32 $0xC3A0, v1;
	v8 =	vld.idx.msk [tilespmem:v8+s2+$0x0], $0xffff;
	v5 =	vmul.f32 v5, v7  }
0xdf: {  	v62 =	vadd.s32 $0xEAC0, v0;
	v7 =	vld.idx.msk [tilespmem:v57+s2+$0x0], $0xffff  }
0xe0: {  	v63 =	vadd.s32 $0xEAC0, v1;
	v10 =	vld.idx.msk [tilespmem:v58+s2+$0x0], $0xffff;
	v5 =	vadd.f32 $0.0e+00, v5;
	v2 =	vmul.f32 v3, v2  }
0xe1: {  	v0 =	vadd.s32 $0x111E0, v0;
	v11 =	vld.idx.msk [tilespmem:v59+s2+$0x0], $0xffff  }
0xe2: {  	v1 =	vadd.s32 $0x111E0, v1;
	v12 =	vld.idx.msk [tilespmem:v60+s2+$0x0], $0xffff;
	v4 =	vmul.f32 v6, v4;
	v3 =	vadd.f32 v2, v5  }
0xe3: {  	v13 =	vld.idx.msk [tilespmem:v61+s2+$0x0], $0xffff  }
0xe4: {  	v2 =	vld.idx.msk [tilespmem:v62+s2+$0x0], $0xffff;
	v6 =	vmul.f32 v7, v8;
	v5 =	vadd.f32 v4, v3  }
0xe5: {  	v4 =	vld.idx.msk [tilespmem:v63+s2+$0x0], $0xffff  }
0xe6: {  	v7 =	vmul.f32 v11, v10;
	v3 =	vld.idx.msk [tilespmem:v0+s2+$0x0], $0xffff;
	v6 =	vadd.f32 v6, v5  }
0xe7: {  	s3 =	simm.s32 $0x10;
	v5 =	vld.idx.msk [tilespmem:v1+s2+$0x0], $0xffff  }
0xe8: {  	v0 =	vld [tilespmem:s3+$0x13900];
	v6 =	vadd.f32 v7, v6;
	v7 =	vmul.f32 v13, v12  }
0xe9: {  	s4 =	simm.s32 $0x80;
	v1 =	vld [tilespmem:s3+$0x14900]  }
.LBB2_6:
0xea: {  	p0 =	sne.s32 s4, $0x3FC0;
	v6 =	vadd.f32 v7, v6;
	v2 =	vmul.f32 v4, v2;
	_ =	sdelay $0x1  }
0xeb: {  	v3 =	vmul.f32 v5, v3;
	v2 =	vadd.f32 v2, v6;
	_ =	sdelay $0x1  }
0xec: {  	v4 =	vadd.s32 $0x2720, v0;
	v2 =	vadd.f32 v3, v2  }
0xed: {  	v3 =	vadd.s32 $0x2720, v1  }
0xee: {  	v5 =	vadd.s32 $0x4E40, v0;
	[tilespmem:s1+$0x15900] =	vst v2;
	s1 =	smov.u32 s3  }
0xef: {  	v6 =	vadd.s32 $0x4E40, v1;
	v2 =	vld.idx.msk [tilespmem:v1+s2+$0x0], $0xffff  }
0xf0: {  	v8 =	vadd.s32 $0x7560, v0;
	v7 =	vld.idx.msk [tilespmem:v0+s2+$0x0], $0xffff  }
0xf1: {  	v9 =	vadd.s32 $0x7560, v1;
	v4 =	vld.idx.msk [tilespmem:v4+s2+$0x0], $0xffff  }
0xf2: {  	v10 =	vadd.s32 $0x9C80, v0;
	v3 =	vld.idx.msk [tilespmem:v3+s2+$0x0], $0xffff  }
0xf3: {  	v11 =	vadd.s32 $0x9C80, v1;
	v5 =	vld.idx.msk [tilespmem:v5+s2+$0x0], $0xffff  }
0xf4: {  	v12 =	vadd.s32 $0xC3A0, v0;
	v6 =	vld.idx.msk [tilespmem:v6+s2+$0x0], $0xffff  }
0xf5: {  	v13 =	vadd.s32 $0xC3A0, v1;
	v8 =	vld.idx.msk [tilespmem:v8+s2+$0x0], $0xffff  }
0xf6: {  	v2 =	vmul.f32 v2, v7;
	v7 =	vld.idx.msk [tilespmem:v9+s2+$0x0], $0xffff;
	v9 =	vadd.s32 $0xEAC0, v0  }
0xf7: {  	v14 =	vadd.s32 $0xEAC0, v1;
	v10 =	vld.idx.msk [tilespmem:v10+s2+$0x0], $0xffff  }
0xf8: {  	v0 =	vadd.s32 $0x111E0, v0;
	v2 =	vadd.f32 $0.0e+00, v2;
	v3 =	vmul.f32 v3, v4;
	v11 =	vld.idx.msk [tilespmem:v11+s2+$0x0], $0xffff  }
0xf9: {  	v1 =	vadd.s32 $0x111E0, v1;
	v12 =	vld.idx.msk [tilespmem:v12+s2+$0x0], $0xffff  }
0xfa: {  	v3 =	vadd.f32 v3, v2;
	v4 =	vmul.f32 v6, v5;
	v13 =	vld.idx.msk [tilespmem:v13+s2+$0x0], $0xffff  }
0xfb: {  	v2 =	vld.idx.msk [tilespmem:v9+s2+$0x0], $0xffff  }
0xfc: {  	v5 =	vadd.f32 v4, v3;
	v6 =	vmul.f32 v7, v8;
	v4 =	vld.idx.msk [tilespmem:v14+s2+$0x0], $0xffff  }
.Ltmp2:
0xfd: {  	v3 =	vld.idx.msk [tilespmem:v0+s2+$0x0], $0xffff;
	(pc) =	sbr.rel @p0 .LBB2_6-.Ltmp2, $4  }
0xfe: {  	v6 =	vadd.f32 v6, v5;
	v7 =	vmul.f32 v11, v10;
	v5 =	vld.idx.msk [tilespmem:v1+s2+$0x0], $0xffff  }
0xff: {  	s3 =	sshra.s32 s4, $0x2  }
0x100: {  	v6 =	vadd.f32 v7, v6;
	v7 =	vmul.f32 v13, v12;
	v0 =	vld [tilespmem:s3+$0x13900]  }
0x101: {  	s4 =	sadd.s32 $0x40, s4;
	v1 =	vld [tilespmem:s3+$0x14900]  }
0x102: {  	_ = 	snop  }
0x103: {  	v6 =	vadd.f32 v7, v6;
	v2 =	vmul.f32 v4, v2;
	_ =	sdelay $0x1  }
0x104: {  	v3 =	vmul.f32 v5, v3;
	v2 =	vadd.f32 v2, v6;
	_ =	sdelay $0x1  }
0x105: {  	v4 =	vadd.s32 $0x2720, v0;
	v2 =	vadd.f32 v3, v2  }
0x106: {  	v3 =	vadd.s32 $0x2720, v1  }
0x107: {  	v5 =	vadd.s32 $0x4E40, v0;
	[tilespmem:s1+$0x15900] =	vst v2  }
0x108: {  	v6 =	vadd.s32 $0x4E40, v1;
	v2 =	vld.idx.msk [tilespmem:v1+s2+$0x0], $0xffff  }
0x109: {  	v8 =	vadd.s32 $0x7560, v0;
	v7 =	vld.idx.msk [tilespmem:v0+s2+$0x0], $0xffff  }
0x10a: {  	v9 =	vadd.s32 $0x7560, v1;
	v4 =	vld.idx.msk [tilespmem:v4+s2+$0x0], $0xffff  }
0x10b: {  	v10 =	vadd.s32 $0x9C80, v0;
	v3 =	vld.idx.msk [tilespmem:v3+s2+$0x0], $0xffff  }
0x10c: {  	v11 =	vadd.s32 $0x9C80, v1;
	v5 =	vld.idx.msk [tilespmem:v5+s2+$0x0], $0xffff  }
0x10d: {  	v12 =	vadd.s32 $0xC3A0, v0;
	v6 =	vld.idx.msk [tilespmem:v6+s2+$0x0], $0xffff  }
0x10e: {  	v13 =	vadd.s32 $0xC3A0, v1;
	v8 =	vld.idx.msk [tilespmem:v8+s2+$0x0], $0xffff;
	v2 =	vmul.f32 v2, v7  }
0x10f: {  	v55 =	vadd.s32 $0xEAC0, v0;
	v7 =	vld.idx.msk [tilespmem:v9+s2+$0x0], $0xffff  }
0x110: {  	v14 =	vadd.s32 $0xEAC0, v1;
	v10 =	vld.idx.msk [tilespmem:v10+s2+$0x0], $0xffff;
	v2 =	vadd.f32 $0.0e+00, v2;
	v3 =	vmul.f32 v3, v4  }
0x111: {  	v0 =	vadd.s32 $0x111E0, v0;
	v4 =	vld.idx.msk [tilespmem:v11+s2+$0x0], $0xffff  }
0x112: {  	v1 =	vadd.s32 $0x111E0, v1;
	v56 =	vld.idx.msk [tilespmem:v12+s2+$0x0], $0xffff;
	v2 =	vadd.f32 v3, v2;
	v3 =	vmul.f32 v6, v5  }
0x113: {  	v5 =	vld.idx.msk [tilespmem:v13+s2+$0x0], $0xffff  }
0x114: {  	v6 =	vld.idx.msk [tilespmem:v55+s2+$0x0], $0xffff;
	v2 =	vadd.f32 v3, v2;
	v3 =	vmul.f32 v7, v8  }
0x115: {  	v7 =	vld.idx.msk [tilespmem:v14+s2+$0x0], $0xffff  }
0x116: {  	v0 =	vld.idx.msk [tilespmem:v0+s2+$0x0], $0xffff;
	v2 =	vadd.f32 v3, v2;
	v3 =	vmul.f32 v4, v10  }
0x117: {  	v1 =	vld.idx.msk [tilespmem:v1+s2+$0x0], $0xffff  }
0x118: {  	v2 =	vadd.f32 v3, v2;
	v3 =	vmul.f32 v5, v56;
	_ =	sdelay $0x1  }
0x119: {  	v2 =	vadd.f32 v3, v2;
	v3 =	vmul.f32 v7, v6;
	_ =	sdelay $0x1  }
0x11a: {  	v0 =	vmul.f32 v1, v0;
	v2 =	vadd.f32 v3, v2;
	_ =	sdelay $0x1  }
0x11b: {  	v0 =	vadd.f32 v0, v2;
	_ =	sdelay $0x1  }
0x11c: {  	s4 =	simm.s32 $0x0;
	[tilespmem:s3+$0x15900] =	vst v0  }
0x11d: {  	[hbm4b:s14+s4] =	stream.linear.scatter [tilespmem:s29], [sflag:$0x1], $0x1000, $0x38;
	[tilespmem:$0x1BA00] =	vst v63  }
0x11e: {  	_ =	swait.ge [sflag:s25], $0x1000  }
0x11f: {  	[sflag:s25] =	ssyncset.done $0x0  }
0x120: {  	[sflag:s25] =	ssyncadd.s32 $0xFFFFF000  }
0x121: {  	[tilespmem:s26], [sflag:$0x1] =	stream.linear.gather [hbm4b:s15+s4], $0x1000, $0x38;
	[tilespmem:$0x1BA00] =	vst v63  }
0x122: {  	_ =	swait.ge [sflag:s25], $0x1000  }
0x123: {  	[sflag:s25] =	ssyncset.done $0x0  }
0x124: {  	[sflag:s25] =	ssyncadd.s32 $0xFFFFF000  }
0x125: {  	[tilespmem:s28], [sflag:$0x1] =	stream.linear.gather [hbm4b:s16+s4], $0x1000, $0x38;
	[tilespmem:$0x1BA00] =	vst v63  }
0x126: {  	_ =	swait.ge [sflag:s25], $0x1000  }
0x127: {  	[sflag:s25] =	ssyncset.done $0x0  }
0x128: {  	s1 =	simm.s32 $0x0;
	[sflag:s25] =	ssyncadd.s32 $0xFFFFF000  }
0x129: {  	v0 =	vld [tilespmem:s1+$0x13900]  }
0x12a: {  	v1 =	vld [tilespmem:s1+$0x14900];
	_ =	sdelay $0x4  }
0x12b: {  	v2 =	vadd.s32 $0x2720, v0  }
0x12c: {  	v3 =	vadd.s32 $0x2720, v1  }
0x12d: {  	v4 =	vadd.s32 $0x4E40, v0  }
0x12e: {  	v6 =	vadd.s32 $0x4E40, v1;
	v5 =	vld.idx.msk [tilespmem:v1+s2+$0x0], $0xffff  }
0x12f: {  	v8 =	vadd.s32 $0x7560, v0;
	v7 =	vld.idx.msk [tilespmem:v0+s2+$0x0], $0xffff  }
0x130: {  	v57 =	vadd.s32 $0x7560, v1;
	v2 =	vld.idx.msk [tilespmem:v2+s2+$0x0], $0xffff  }
0x131: {  	v58 =	vadd.s32 $0x9C80, v0;
	v3 =	vld.idx.msk [tilespmem:v3+s2+$0x0], $0xffff  }
0x132: {  	v59 =	vadd.s32 $0x9C80, v1;
	v4 =	vld.idx.msk [tilespmem:v4+s2+$0x0], $0xffff  }
0x133: {  	v60 =	vadd.s32 $0xC3A0, v0;
	v6 =	vld.idx.msk [tilespmem:v6+s2+$0x0], $0xffff  }
0x134: {  	v61 =	vadd.s32 $0xC3A0, v1;
	v8 =	vld.idx.msk [tilespmem:v8+s2+$0x0], $0xffff;
	v5 =	vmul.f32 v5, v7  }
0x135: {  	v62 =	vadd.s32 $0xEAC0, v0;
	v7 =	vld.idx.msk [tilespmem:v57+s2+$0x0], $0xffff  }
0x136: {  	v63 =	vadd.s32 $0xEAC0, v1;
	v10 =	vld.idx.msk [tilespmem:v58+s2+$0x0], $0xffff;
	v5 =	vadd.f32 $0.0e+00, v5;
	v2 =	vmul.f32 v3, v2  }
0x137: {  	v0 =	vadd.s32 $0x111E0, v0;
	v11 =	vld.idx.msk [tilespmem:v59+s2+$0x0], $0xffff  }
0x138: {  	v1 =	vadd.s32 $0x111E0, v1;
	v12 =	vld.idx.msk [tilespmem:v60+s2+$0x0], $0xffff;
	v4 =	vmul.f32 v6, v4;
	v3 =	vadd.f32 v2, v5  }
0x139: {  	v13 =	vld.idx.msk [tilespmem:v61+s2+$0x0], $0xffff  }
0x13a: {  	v2 =	vld.idx.msk [tilespmem:v62+s2+$0x0], $0xffff;
	v6 =	vmul.f32 v7, v8;
	v5 =	vadd.f32 v4, v3  }
0x13b: {  	v4 =	vld.idx.msk [tilespmem:v63+s2+$0x0], $0xffff  }
0x13c: {  	v7 =	vmul.f32 v11, v10;
	v3 =	vld.idx.msk [tilespmem:v0+s2+$0x0], $0xffff;
	v6 =	vadd.f32 v6, v5  }
0x13d: {  	s3 =	simm.s32 $0x10;
	v5 =	vld.idx.msk [tilespmem:v1+s2+$0x0], $0xffff  }
0x13e: {  	v0 =	vld [tilespmem:s3+$0x13900];
	v6 =	vadd.f32 v7, v6;
	v7 =	vmul.f32 v13, v12  }
0x13f: {  	s4 =	simm.s32 $0x80;
	v1 =	vld [tilespmem:s3+$0x14900]  }
.LBB2_8:
0x140: {  	p0 =	sne.s32 s4, $0x3FC0;
	v6 =	vadd.f32 v7, v6;
	v2 =	vmul.f32 v4, v2;
	_ =	sdelay $0x1  }
0x141: {  	v3 =	vmul.f32 v5, v3;
	v2 =	vadd.f32 v2, v6;
	_ =	sdelay $0x1  }
0x142: {  	v4 =	vadd.s32 $0x2720, v0;
	v2 =	vadd.f32 v3, v2  }
0x143: {  	v3 =	vadd.s32 $0x2720, v1  }
0x144: {  	v5 =	vadd.s32 $0x4E40, v0;
	[tilespmem:s1+$0x15900] =	vst v2;
	s1 =	smov.u32 s3  }
0x145: {  	v6 =	vadd.s32 $0x4E40, v1;
	v2 =	vld.idx.msk [tilespmem:v1+s2+$0x0], $0xffff  }
0x146: {  	v8 =	vadd.s32 $0x7560, v0;
	v7 =	vld.idx.msk [tilespmem:v0+s2+$0x0], $0xffff  }
0x147: {  	v9 =	vadd.s32 $0x7560, v1;
	v4 =	vld.idx.msk [tilespmem:v4+s2+$0x0], $0xffff  }
0x148: {  	v10 =	vadd.s32 $0x9C80, v0;
	v3 =	vld.idx.msk [tilespmem:v3+s2+$0x0], $0xffff  }
0x149: {  	v11 =	vadd.s32 $0x9C80, v1;
	v5 =	vld.idx.msk [tilespmem:v5+s2+$0x0], $0xffff  }
0x14a: {  	v12 =	vadd.s32 $0xC3A0, v0;
	v6 =	vld.idx.msk [tilespmem:v6+s2+$0x0], $0xffff  }
0x14b: {  	v13 =	vadd.s32 $0xC3A0, v1;
	v8 =	vld.idx.msk [tilespmem:v8+s2+$0x0], $0xffff  }
0x14c: {  	v2 =	vmul.f32 v2, v7;
	v7 =	vld.idx.msk [tilespmem:v9+s2+$0x0], $0xffff;
	v9 =	vadd.s32 $0xEAC0, v0  }
0x14d: {  	v14 =	vadd.s32 $0xEAC0, v1;
	v10 =	vld.idx.msk [tilespmem:v10+s2+$0x0], $0xffff  }
0x14e: {  	v0 =	vadd.s32 $0x111E0, v0;
	v2 =	vadd.f32 $0.0e+00, v2;
	v3 =	vmul.f32 v3, v4;
	v11 =	vld.idx.msk [tilespmem:v11+s2+$0x0], $0xffff  }
0x14f: {  	v1 =	vadd.s32 $0x111E0, v1;
	v12 =	vld.idx.msk [tilespmem:v12+s2+$0x0], $0xffff  }
0x150: {  	v3 =	vadd.f32 v3, v2;
	v4 =	vmul.f32 v6, v5;
	v13 =	vld.idx.msk [tilespmem:v13+s2+$0x0], $0xffff  }
0x151: {  	v2 =	vld.idx.msk [tilespmem:v9+s2+$0x0], $0xffff  }
0x152: {  	v5 =	vadd.f32 v4, v3;
	v6 =	vmul.f32 v7, v8;
	v4 =	vld.idx.msk [tilespmem:v14+s2+$0x0], $0xffff  }
.Ltmp3:
0x153: {  	v3 =	vld.idx.msk [tilespmem:v0+s2+$0x0], $0xffff;
	(pc) =	sbr.rel @p0 .LBB2_8-.Ltmp3, $4  }
0x154: {  	v6 =	vadd.f32 v6, v5;
	v7 =	vmul.f32 v11, v10;
	v5 =	vld.idx.msk [tilespmem:v1+s2+$0x0], $0xffff  }
0x155: {  	s3 =	sshra.s32 s4, $0x2  }
0x156: {  	v6 =	vadd.f32 v7, v6;
	v7 =	vmul.f32 v13, v12;
	v0 =	vld [tilespmem:s3+$0x13900]  }
0x157: {  	s4 =	sadd.s32 $0x40, s4;
	v1 =	vld [tilespmem:s3+$0x14900]  }
0x158: {  	_ = 	snop  }
0x159: {  	v6 =	vadd.f32 v7, v6;
	v2 =	vmul.f32 v4, v2;
	_ =	sdelay $0x1  }
0x15a: {  	v3 =	vmul.f32 v5, v3;
	v2 =	vadd.f32 v2, v6;
	_ =	sdelay $0x1  }
0x15b: {  	v4 =	vadd.s32 $0x2720, v0;
	v2 =	vadd.f32 v3, v2  }
0x15c: {  	v3 =	vadd.s32 $0x2720, v1  }
0x15d: {  	v5 =	vadd.s32 $0x4E40, v0;
	[tilespmem:s1+$0x15900] =	vst v2  }
0x15e: {  	v6 =	vadd.s32 $0x4E40, v1;
	v2 =	vld.idx.msk [tilespmem:v1+s2+$0x0], $0xffff  }
0x15f: {  	v8 =	vadd.s32 $0x7560, v0;
	v7 =	vld.idx.msk [tilespmem:v0+s2+$0x0], $0xffff  }
0x160: {  	v9 =	vadd.s32 $0x7560, v1;
	v4 =	vld.idx.msk [tilespmem:v4+s2+$0x0], $0xffff  }
0x161: {  	v10 =	vadd.s32 $0x9C80, v0;
	v3 =	vld.idx.msk [tilespmem:v3+s2+$0x0], $0xffff  }
0x162: {  	v11 =	vadd.s32 $0x9C80, v1;
	v5 =	vld.idx.msk [tilespmem:v5+s2+$0x0], $0xffff  }
0x163: {  	v12 =	vadd.s32 $0xC3A0, v0;
	v6 =	vld.idx.msk [tilespmem:v6+s2+$0x0], $0xffff  }
0x164: {  	v13 =	vadd.s32 $0xC3A0, v1;
	v8 =	vld.idx.msk [tilespmem:v8+s2+$0x0], $0xffff;
	v2 =	vmul.f32 v2, v7  }
0x165: {  	v55 =	vadd.s32 $0xEAC0, v0;
	v7 =	vld.idx.msk [tilespmem:v9+s2+$0x0], $0xffff  }
0x166: {  	v14 =	vadd.s32 $0xEAC0, v1;
	v10 =	vld.idx.msk [tilespmem:v10+s2+$0x0], $0xffff;
	v2 =	vadd.f32 $0.0e+00, v2;
	v3 =	vmul.f32 v3, v4  }
0x167: {  	v0 =	vadd.s32 $0x111E0, v0;
	v4 =	vld.idx.msk [tilespmem:v11+s2+$0x0], $0xffff  }
0x168: {  	v1 =	vadd.s32 $0x111E0, v1;
	v56 =	vld.idx.msk [tilespmem:v12+s2+$0x0], $0xffff;
	v2 =	vadd.f32 v3, v2;
	v3 =	vmul.f32 v6, v5  }
0x169: {  	v5 =	vld.idx.msk [tilespmem:v13+s2+$0x0], $0xffff  }
0x16a: {  	v6 =	vld.idx.msk [tilespmem:v55+s2+$0x0], $0xffff;
	v2 =	vadd.f32 v3, v2;
	v3 =	vmul.f32 v7, v8  }
0x16b: {  	v7 =	vld.idx.msk [tilespmem:v14+s2+$0x0], $0xffff  }
0x16c: {  	v0 =	vld.idx.msk [tilespmem:v0+s2+$0x0], $0xffff;
	v2 =	vadd.f32 v3, v2;
	v3 =	vmul.f32 v4, v10  }
0x16d: {  	v1 =	vld.idx.msk [tilespmem:v1+s2+$0x0], $0xffff  }
0x16e: {  	v2 =	vadd.f32 v3, v2;
	v3 =	vmul.f32 v5, v56;
	_ =	sdelay $0x1  }
0x16f: {  	v2 =	vadd.f32 v3, v2;
	v3 =	vmul.f32 v7, v6;
	_ =	sdelay $0x1  }
0x170: {  	v0 =	vmul.f32 v1, v0;
	v2 =	vadd.f32 v3, v2;
	_ =	sdelay $0x1  }
0x171: {  	v0 =	vadd.f32 v0, v2;
	_ =	sdelay $0x1  }
0x172: {  	s4 =	simm.s32 $0x0;
	[tilespmem:s3+$0x15900] =	vst v0  }
0x173: {  	[hbm4b:s17+s4] =	stream.linear.scatter [tilespmem:s29], [sflag:$0x1], $0x1000, $0x38;
	[tilespmem:$0x1BA00] =	vst v63  }
0x174: {  	_ =	swait.ge [sflag:s25], $0x1000  }
0x175: {  	[sflag:s25] =	ssyncset.done $0x0  }
0x176: {  	[sflag:s25] =	ssyncadd.s32 $0xFFFFF000  }
0x177: {  	[tilespmem:s26], [sflag:$0x1] =	stream.linear.gather [hbm4b:s18+s4], $0x1000, $0x38;
	[tilespmem:$0x1BA00] =	vst v63  }
0x178: {  	_ =	swait.ge [sflag:s25], $0x1000  }
0x179: {  	[sflag:s25] =	ssyncset.done $0x0  }
0x17a: {  	[sflag:s25] =	ssyncadd.s32 $0xFFFFF000  }
0x17b: {  	[tilespmem:s28], [sflag:$0x1] =	stream.linear.gather [hbm4b:s19+s4], $0x1000, $0x38;
	[tilespmem:$0x1BA00] =	vst v63  }
0x17c: {  	_ =	swait.ge [sflag:s25], $0x1000  }
0x17d: {  	[sflag:s25] =	ssyncset.done $0x0  }
0x17e: {  	s1 =	simm.s32 $0x0;
	[sflag:s25] =	ssyncadd.s32 $0xFFFFF000  }
0x17f: {  	v0 =	vld [tilespmem:s1+$0x13900]  }
0x180: {  	v1 =	vld [tilespmem:s1+$0x14900];
	_ =	sdelay $0x4  }
0x181: {  	v2 =	vadd.s32 $0x2720, v0  }
0x182: {  	v3 =	vadd.s32 $0x2720, v1  }
0x183: {  	v4 =	vadd.s32 $0x4E40, v0  }
0x184: {  	v6 =	vadd.s32 $0x4E40, v1;
	v5 =	vld.idx.msk [tilespmem:v1+s2+$0x0], $0xffff  }
0x185: {  	v8 =	vadd.s32 $0x7560, v0;
	v7 =	vld.idx.msk [tilespmem:v0+s2+$0x0], $0xffff  }
0x186: {  	v57 =	vadd.s32 $0x7560, v1;
	v2 =	vld.idx.msk [tilespmem:v2+s2+$0x0], $0xffff  }
0x187: {  	v58 =	vadd.s32 $0x9C80, v0;
	v3 =	vld.idx.msk [tilespmem:v3+s2+$0x0], $0xffff  }
0x188: {  	v59 =	vadd.s32 $0x9C80, v1;
	v4 =	vld.idx.msk [tilespmem:v4+s2+$0x0], $0xffff  }
0x189: {  	v60 =	vadd.s32 $0xC3A0, v0;
	v6 =	vld.idx.msk [tilespmem:v6+s2+$0x0], $0xffff  }
0x18a: {  	v61 =	vadd.s32 $0xC3A0, v1;
	v8 =	vld.idx.msk [tilespmem:v8+s2+$0x0], $0xffff;
	v5 =	vmul.f32 v5, v7  }
0x18b: {  	v62 =	vadd.s32 $0xEAC0, v0;
	v7 =	vld.idx.msk [tilespmem:v57+s2+$0x0], $0xffff  }
0x18c: {  	v63 =	vadd.s32 $0xEAC0, v1;
	v10 =	vld.idx.msk [tilespmem:v58+s2+$0x0], $0xffff;
	v5 =	vadd.f32 $0.0e+00, v5;
	v2 =	vmul.f32 v3, v2  }
0x18d: {  	v0 =	vadd.s32 $0x111E0, v0;
	v11 =	vld.idx.msk [tilespmem:v59+s2+$0x0], $0xffff  }
0x18e: {  	v1 =	vadd.s32 $0x111E0, v1;
	v12 =	vld.idx.msk [tilespmem:v60+s2+$0x0], $0xffff;
	v4 =	vmul.f32 v6, v4;
	v3 =	vadd.f32 v2, v5  }
0x18f: {  	v13 =	vld.idx.msk [tilespmem:v61+s2+$0x0], $0xffff  }
0x190: {  	v2 =	vld.idx.msk [tilespmem:v62+s2+$0x0], $0xffff;
	v6 =	vmul.f32 v7, v8;
	v5 =	vadd.f32 v4, v3  }
0x191: {  	v4 =	vld.idx.msk [tilespmem:v63+s2+$0x0], $0xffff  }
0x192: {  	v7 =	vmul.f32 v11, v10;
	v3 =	vld.idx.msk [tilespmem:v0+s2+$0x0], $0xffff;
	v6 =	vadd.f32 v6, v5  }
0x193: {  	s3 =	simm.s32 $0x10;
	v5 =	vld.idx.msk [tilespmem:v1+s2+$0x0], $0xffff  }
0x194: {  	v0 =	vld [tilespmem:s3+$0x13900];
	v6 =	vadd.f32 v7, v6;
	v7 =	vmul.f32 v13, v12  }
0x195: {  	s4 =	simm.s32 $0x80;
	v1 =	vld [tilespmem:s3+$0x14900]  }
.LBB2_10:
0x196: {  	p0 =	sne.s32 s4, $0x3FC0;
	v6 =	vadd.f32 v7, v6;
	v2 =	vmul.f32 v4, v2;
	_ =	sdelay $0x1  }
0x197: {  	v3 =	vmul.f32 v5, v3;
	v2 =	vadd.f32 v2, v6;
	_ =	sdelay $0x1  }
0x198: {  	v4 =	vadd.s32 $0x2720, v0;
	v2 =	vadd.f32 v3, v2  }
0x199: {  	v3 =	vadd.s32 $0x2720, v1  }
0x19a: {  	v5 =	vadd.s32 $0x4E40, v0;
	[tilespmem:s1+$0x15900] =	vst v2;
	s1 =	smov.u32 s3  }
0x19b: {  	v6 =	vadd.s32 $0x4E40, v1;
	v2 =	vld.idx.msk [tilespmem:v1+s2+$0x0], $0xffff  }
0x19c: {  	v8 =	vadd.s32 $0x7560, v0;
	v7 =	vld.idx.msk [tilespmem:v0+s2+$0x0], $0xffff  }
0x19d: {  	v9 =	vadd.s32 $0x7560, v1;
	v4 =	vld.idx.msk [tilespmem:v4+s2+$0x0], $0xffff  }
0x19e: {  	v10 =	vadd.s32 $0x9C80, v0;
	v3 =	vld.idx.msk [tilespmem:v3+s2+$0x0], $0xffff  }
0x19f: {  	v11 =	vadd.s32 $0x9C80, v1;
	v5 =	vld.idx.msk [tilespmem:v5+s2+$0x0], $0xffff  }
0x1a0: {  	v12 =	vadd.s32 $0xC3A0, v0;
	v6 =	vld.idx.msk [tilespmem:v6+s2+$0x0], $0xffff  }
0x1a1: {  	v13 =	vadd.s32 $0xC3A0, v1;
	v8 =	vld.idx.msk [tilespmem:v8+s2+$0x0], $0xffff  }
0x1a2: {  	v2 =	vmul.f32 v2, v7;
	v7 =	vld.idx.msk [tilespmem:v9+s2+$0x0], $0xffff;
	v9 =	vadd.s32 $0xEAC0, v0  }
0x1a3: {  	v14 =	vadd.s32 $0xEAC0, v1;
	v10 =	vld.idx.msk [tilespmem:v10+s2+$0x0], $0xffff  }
0x1a4: {  	v0 =	vadd.s32 $0x111E0, v0;
	v2 =	vadd.f32 $0.0e+00, v2;
	v3 =	vmul.f32 v3, v4;
	v11 =	vld.idx.msk [tilespmem:v11+s2+$0x0], $0xffff  }
0x1a5: {  	v1 =	vadd.s32 $0x111E0, v1;
	v12 =	vld.idx.msk [tilespmem:v12+s2+$0x0], $0xffff  }
0x1a6: {  	v3 =	vadd.f32 v3, v2;
	v4 =	vmul.f32 v6, v5;
	v13 =	vld.idx.msk [tilespmem:v13+s2+$0x0], $0xffff  }
0x1a7: {  	v2 =	vld.idx.msk [tilespmem:v9+s2+$0x0], $0xffff  }
0x1a8: {  	v5 =	vadd.f32 v4, v3;
	v6 =	vmul.f32 v7, v8;
	v4 =	vld.idx.msk [tilespmem:v14+s2+$0x0], $0xffff  }
.Ltmp4:
0x1a9: {  	v3 =	vld.idx.msk [tilespmem:v0+s2+$0x0], $0xffff;
	(pc) =	sbr.rel @p0 .LBB2_10-.Ltmp4, $4  }
0x1aa: {  	v6 =	vadd.f32 v6, v5;
	v7 =	vmul.f32 v11, v10;
	v5 =	vld.idx.msk [tilespmem:v1+s2+$0x0], $0xffff  }
0x1ab: {  	s3 =	sshra.s32 s4, $0x2  }
0x1ac: {  	v6 =	vadd.f32 v7, v6;
	v7 =	vmul.f32 v13, v12;
	v0 =	vld [tilespmem:s3+$0x13900]  }
0x1ad: {  	s4 =	sadd.s32 $0x40, s4;
	v1 =	vld [tilespmem:s3+$0x14900]  }
0x1ae: {  	_ = 	snop  }
0x1af: {  	v6 =	vadd.f32 v7, v6;
	v2 =	vmul.f32 v4, v2;
	_ =	sdelay $0x1  }
0x1b0: {  	v3 =	vmul.f32 v5, v3;
	v2 =	vadd.f32 v2, v6;
	_ =	sdelay $0x1  }
0x1b1: {  	v57 =	vadd.s32 $0x2720, v0;
	v2 =	vadd.f32 v3, v2  }
0x1b2: {  	v58 =	vadd.s32 $0x2720, v1  }
0x1b3: {  	v59 =	vadd.s32 $0x4E40, v0;
	[tilespmem:s1+$0x15900] =	vst v2  }
0x1b4: {  	v60 =	vadd.s32 $0x4E40, v1;
	v2 =	vld.idx.msk [tilespmem:v1+s2+$0x0], $0xffff  }
0x1b5: {  	v8 =	vadd.s32 $0x7560, v0;
	v61 =	vld.idx.msk [tilespmem:v0+s2+$0x0], $0xffff  }
0x1b6: {  	v9 =	vadd.s32 $0x7560, v1;
	v4 =	vld.idx.msk [tilespmem:v57+s2+$0x0], $0xffff  }
0x1b7: {  	v10 =	vadd.s32 $0x9C80, v0;
	v3 =	vld.idx.msk [tilespmem:v58+s2+$0x0], $0xffff  }
0x1b8: {  	v11 =	vadd.s32 $0x9C80, v1;
	v5 =	vld.idx.msk [tilespmem:v59+s2+$0x0], $0xffff  }
0x1b9: {  	v12 =	vadd.s32 $0xC3A0, v0;
	v6 =	vld.idx.msk [tilespmem:v60+s2+$0x0], $0xffff  }
0x1ba: {  	v13 =	vadd.s32 $0xC3A0, v1;
	v8 =	vld.idx.msk [tilespmem:v8+s2+$0x0], $0xffff;
	v2 =	vmul.f32 v2, v61  }
0x1bb: {  	v63 =	vadd.s32 $0xEAC0, v0;
	v62 =	vld.idx.msk [tilespmem:v9+s2+$0x0], $0xffff  }
0x1bc: {  	v14 =	vadd.s32 $0xEAC0, v1;
	v10 =	vld.idx.msk [tilespmem:v10+s2+$0x0], $0xffff;
	v2 =	vadd.f32 $0.0e+00, v2;
	v3 =	vmul.f32 v3, v4  }
0x1bd: {  	v16 =	vadd.s32 $0x111E0, v0;
	v15 =	vld.idx.msk [tilespmem:v11+s2+$0x0], $0xffff  }
0x1be: {  	v18 =	vadd.s32 $0x111E0, v1;
	v17 =	vld.idx.msk [tilespmem:v12+s2+$0x0], $0xffff;
	v19 =	vmul.f32 v6, v5;
	v2 =	vadd.f32 v3, v2  }
0x1bf: {  	v20 =	vld.idx.msk [tilespmem:v13+s2+$0x0], $0xffff  }
0x1c0: {  	v21 =	vld.idx.msk [tilespmem:v63+s2+$0x0], $0xffff;
	v22 =	vmul.f32 v62, v8;
	v2 =	vadd.f32 v19, v2  }
0x1c1: {  	v23 =	vld.idx.msk [tilespmem:v14+s2+$0x0], $0xffff  }
0x1c2: {  	v0 =	vld.idx.msk [tilespmem:v16+s2+$0x0], $0xffff;
	v24 =	vmul.f32 v15, v10;
	v2 =	vadd.f32 v22, v2  }
0x1c3: {  	v1 =	vld.idx.msk [tilespmem:v18+s2+$0x0], $0xffff  }
0x1c4: {  	v25 =	vmul.f32 v20, v17;
	v2 =	vadd.f32 v24, v2;
	_ =	sdelay $0x1  }
0x1c5: {  	v26 =	vmul.f32 v23, v21;
	v2 =	vadd.f32 v25, v2;
	_ =	sdelay $0x1  }
0x1c6: {  	v0 =	vmul.f32 v1, v0;
	v2 =	vadd.f32 v26, v2;
	_ =	sdelay $0x1  }
0x1c7: {  	v0 =	vadd.f32 v0, v2;
	_ =	sdelay $0x1  }
0x1c8: {  	[tilespmem:s3+$0x15900] =	vst v0  }
0x1c9: {  	[hbm4b:s20+s2] =	stream.linear.scatter [tilespmem:s29], [sflag:$0x1], $0x1000, $0x38;
	[tilespmem:$0x1BA00] =	vst v63  }
0x1ca: {  	_ =	swait.ge [sflag:s25], $0x1000  }
0x1cb: {  	[sflag:s25] =	ssyncset.done $0x0  }
0x1cc: {  	s4 =	rddreg [dreg:$0x2];
	[sflag:s25] =	ssyncadd.s32 $0xFFFFF000  }
0x1cd: {  	[tilespmem:s30], [sflag:$0x1] =	stream.linear.gather [hbm4b:s4+s2], $0x2780, $0x38;
	[tilespmem:$0x1BA00] =	vst v63  }
0x1ce: {  	_ =	swait.ge [sflag:s25], $0x2780  }
0x1cf: {  	[sflag:s25] =	ssyncset.done $0x0  }
0x1d0: {  	s3 =	rddreg [dreg:$0x3];
	[sflag:s25] =	ssyncadd.s32 $0xFFFFD880  }
0x1d1: {  	[tilespmem:s31], [sflag:$0x1] =	stream.linear.gather [hbm4b:s3+s2], $0x2780, $0x38;
	[tilespmem:$0x1BA00] =	vst v63  }
0x1d2: {  	_ =	swait.ge [sflag:s25], $0x2780  }
0x1d3: {  	[sflag:s25] =	ssyncset.done $0x0  }
0x1d4: {  	s4 =	simm.s32 $0x1B800;
	[sflag:s25] =	ssyncadd.s32 $0xFFFFD880  }
0x1d5: {  	[tilespmem:s4], [sflag:$0x1] =	stream.linear.gather [hbm4b:s21+s2], $0x100, $0x38;
	[tilespmem:$0x1BA00] =	vst v63  }
0x1d6: {  	_ =	swait.ge [sflag:s25], $0x100  }
0x1d7: {  	[sflag:s25] =	ssyncset.done $0x0  }
0x1d8: {  	[sflag:s25] =	ssyncadd.s32 $0xFFFFFF00  }
0x1d9: {  	v27 =	vld [tilespmem:$0x1B800]  }
0x1da: {  	v28 =	vld [tilespmem:$0x1B810]  }
0x1db: {  	v29 =	vld [tilespmem:$0x1B820]  }
0x1dc: {  	v31 =	vld [tilespmem:$0x1B830]  }
0x1dd: {  	v33 =	vld [tilespmem:$0x1B840]  }
0x1de: {  	v35 =	vld [tilespmem:$0x1B850]  }
0x1df: {  	v37 =	vld [tilespmem:$0x1B860]  }
0x1e0: {  	v39 =	vld [tilespmem:$0x1B870]  }
0x1e1: {  	v41 =	vld [tilespmem:$0x1B880]  }
0x1e2: {  	v16 =	vld [tilespmem:$0x1B890]  }
0x1e3: {  	v44 =	vld [tilespmem:$0x1B8A0]  }
0x1e4: {  	v48 =	vld [tilespmem:$0x1B8B0]  }
0x1e5: {  	v51 =	vld [tilespmem:$0x1B8C0]  }
0x1e6: {  	v53 =	vld [tilespmem:$0x1B8D0]  }
0x1e7: {  	v55 =	vld [tilespmem:$0x1B8E0]  }
0x1e8: {  	v57 =	vld [tilespmem:$0x1B8F0]  }
0x1e9: {  	v30 =	vld.idx.msk [tilespmem:v27+s30+$0x0], $0xffff  }
0x1ea: {  	v0 =	vld.idx.msk [tilespmem:v27+s31+$0x0], $0xffff  }
0x1eb: {  	v32 =	vld.idx.msk [tilespmem:v28+s30+$0x0], $0xffff  }
0x1ec: {  	v1 =	vld.idx.msk [tilespmem:v28+s31+$0x0], $0xffff  }
0x1ed: {  	v34 =	vld.idx.msk [tilespmem:v29+s30+$0x0], $0xffff  }
0x1ee: {  	v2 =	vld.idx.msk [tilespmem:v29+s31+$0x0], $0xffff;
	v3 =	vadd.f32 $0.0e+00, v30  }
0x1ef: {  	v36 =	vld.idx.msk [tilespmem:v31+s30+$0x0], $0xffff;
	v0 =	vadd.f32 $0.0e+00, v0  }
0x1f0: {  	v4 =	vld.idx.msk [tilespmem:v31+s31+$0x0], $0xffff;
	v3 =	vadd.f32 v32, v3  }
0x1f1: {  	v38 =	vld.idx.msk [tilespmem:v33+s30+$0x0], $0xffff;
	v0 =	vadd.f32 v1, v0  }
0x1f2: {  	v6 =	vld.idx.msk [tilespmem:v33+s31+$0x0], $0xffff;
	v3 =	vadd.f32 v34, v3  }
0x1f3: {  	v40 =	vld.idx.msk [tilespmem:v35+s30+$0x0], $0xffff;
	v0 =	vadd.f32 v2, v0  }
0x1f4: {  	v8 =	vld.idx.msk [tilespmem:v35+s31+$0x0], $0xffff;
	v3 =	vadd.f32 v36, v3  }
0x1f5: {  	v15 =	vld.idx.msk [tilespmem:v37+s30+$0x0], $0xffff;
	v0 =	vadd.f32 v4, v0  }
0x1f6: {  	v42 =	vld.idx.msk [tilespmem:v37+s31+$0x0], $0xffff;
	v3 =	vadd.f32 v38, v3  }
0x1f7: {  	v43 =	vld.idx.msk [tilespmem:v39+s30+$0x0], $0xffff;
	v0 =	vadd.f32 v6, v0  }
0x1f8: {  	v45 =	vld.idx.msk [tilespmem:v39+s31+$0x0], $0xffff;
	v3 =	vadd.f32 v40, v3  }
0x1f9: {  	v46 =	vld.idx.msk [tilespmem:v41+s30+$0x0], $0xffff;
	v0 =	vadd.f32 v8, v0  }
0x1fa: {  	v47 =	vld.idx.msk [tilespmem:v41+s31+$0x0], $0xffff;
	v3 =	vadd.f32 v15, v3  }
0x1fb: {  	v49 =	vld.idx.msk [tilespmem:v16+s30+$0x0], $0xffff;
	v0 =	vadd.f32 v42, v0  }
0x1fc: {  	v50 =	vld.idx.msk [tilespmem:v16+s31+$0x0], $0xffff;
	v1 =	vadd.f32 v43, v3  }
0x1fd: {  	v52 =	vld.idx.msk [tilespmem:v44+s30+$0x0], $0xffff;
	v0 =	vadd.f32 v45, v0  }
0x1fe: {  	v54 =	vld.idx.msk [tilespmem:v44+s31+$0x0], $0xffff;
	v1 =	vadd.f32 v46, v1  }
0x1ff: {  	v56 =	vld.idx.msk [tilespmem:v48+s30+$0x0], $0xffff;
	v0 =	vadd.f32 v47, v0  }
0x200: {  	v58 =	vld.idx.msk [tilespmem:v48+s31+$0x0], $0xffff;
	v1 =	vadd.f32 v49, v1  }
0x201: {  	v59 =	vld.idx.msk [tilespmem:v51+s30+$0x0], $0xffff;
	v0 =	vadd.f32 v50, v0  }
0x202: {  	v8 =	vld.idx.msk [tilespmem:v51+s31+$0x0], $0xffff;
	v1 =	vadd.f32 v52, v1  }
0x203: {  	v60 =	vld.idx.msk [tilespmem:v53+s30+$0x0], $0xffff;
	v0 =	vadd.f32 v54, v0  }
0x204: {  	v5 =	vld.idx.msk [tilespmem:v53+s31+$0x0], $0xffff;
	v1 =	vadd.f32 v56, v1  }
0x205: {  	v61 =	vld.idx.msk [tilespmem:v55+s30+$0x0], $0xffff;
	v0 =	vadd.f32 v58, v0  }
0x206: {  	v2 =	vld.idx.msk [tilespmem:v55+s31+$0x0], $0xffff;
	v1 =	vadd.f32 v59, v1  }
0x207: {  	v62 =	vld.idx.msk [tilespmem:v57+s30+$0x0], $0xffff;
	v0 =	vadd.f32 v8, v0  }
0x208: {  	v63 =	vld.idx.msk [tilespmem:v57+s31+$0x0], $0xffff;
	v1 =	vadd.f32 v60, v1  }
0x209: {  	v0 =	vadd.f32 v5, v0  }
0x20a: {  	v1 =	vadd.f32 v61, v1  }
0x20b: {  	v0 =	vadd.f32 v2, v0  }
0x20c: {  	v1 =	vadd.f32 v62, v1  }
0x20d: {  	v0 =	vadd.f32 v63, v0  }
0x20e: {  	[tilespmem:$0x1B900] =	vst v1  }
0x20f: {  	s3 =	simm.s32 $0x1B900;
	[tilespmem:$0x1B980] =	vst v0  }
0x210: {  	[hbm4b:s22+s2] =	stream.linear.scatter [tilespmem:s3], [sflag:$0x1], $0x80, $0x38;
	[tilespmem:$0x1BA00] =	vst v63  }
0x211: {  	s0 =	sadd.s32 $0x1, s0;
	_ =	swait.ge [sflag:s25], $0x80  }
0x212: {  	p0 =	sne.s32 s0, s24;
	[sflag:s25] =	ssyncset.done $0x0  }
.Ltmp5:
0x213: {  	s4 =	simm.s32 $0x1B980;
	[sflag:s25] =	ssyncadd.s32 $0xFFFFFF80;
	(pc) =	sbr.rel @p0 .LBB2_1-.Ltmp5, $4  }
0x214: {  	[hbm4b:s23+s2] =	stream.linear.scatter [tilespmem:s4], [sflag:$0x1], $0x80, $0x38;
	[tilespmem:$0x1BA00] =	vst v63  }
0x215: {  	_ =	swait.ge [sflag:s25], $0x80  }
0x216: {  	[sflag:s25] =	ssyncset.done $0x0  }
0x217: {  	[sflag:s25] =	ssyncadd.s32 $0xFFFFFF80  }
0x218: {  	_ =	sfence.sel $0x180000  }
0x219: {  	[bflag:$0x0] =	sbarrier.arrive $0xFFFF  }
0x21a: {  	_ =	strace $0x90000047  }
0x21b: {  	s0 =	stileid.u32;
	[bflag:$0x2] =	sbarrier.arrive $0xFFFF  }
0x21c: {  	p0 =	sne.s32 s0, $0x0;
	s0 =	rddreg [dreg:$0x1]  }
0x21d: {  	s0 =	sadd.s32 @!p0 $0x100000, s0  }
0x21e: {  	[sflag:s0] =	ssyncadd.tile.s32 @!p0 $0x1;
	_ =	shalt  }
.Lfunc_end2:
_tile_overlayer_lowered:
.L_overlay_start_2:
0x21f: {  	(tag) =	ssettag $0x2  }
0x220: {  	s0 =	rddreg [dreg:$0x0];
	s2 =	stileid.u32  }
0x221: {  	s1 =	rddreg [dreg:$0x1];
	p0 =	sne.s32 s2, $0x0  }
0x222: {  	s3 =	rddreg [dreg:$0x2];
	[bflag:$0x3] =	sbarrier.arrive $0xFFFF;
	s2 =	simm.s32 @!p0 $0x1C01  }
0x223: {  	[timem:s3], [sflag:s2] =	dma.local @!p0 [hbm:s0], s1  }
0x224: {  	s0 =	simm.s32 @!p0 $0x1  }
0x225: {  	_ =	swait.ge @!p0 [sflag:s0], s1  }
0x226: {  	s1 =	ssub.s32 @!p0 $0x0, s1;
	[sflag:s0] =	ssyncset.done @!p0 $0x0  }
0x227: {  	[sflag:s0] =	ssyncadd.s32 @!p0 s1  }
0x228: {  	[bflag:$0x3] =	sbarrier.arrive $0xFFFF  }
0x229: {  	_ =	shalt  }

</sc_bundles>
